<compile_context>
chip_gen: v7x
topology: tpu7x:2x2x1
jax: 0.10.2.dev20260603
libtpu: 0.0.44.dev20260713+nightly
codegen_flags: <defaults>
</compile_context>

<pallas_src>
import functools

import jax
import jax.numpy as jnp
from jax import lax
from jax.experimental import pallas as pl
from jax.experimental.pallas import tpu as pltpu
from jax.experimental.pallas import tpu_sc as plsc

N = 10000
E = 320000
F_IN = 128
HID = 16
C = 16

NC = 2
NS = 16
NW = NC * NS
L = 16

NPAD = 10016
EPW = E // NW
GPW = EPW // L
CHUNK = 128
NCHUNK = 79
EPAD = NCHUNK * CHUNK
ROWS_PT = NPAD // NS

_mesh = plsc.VectorSubcoreMesh(core_axis_name="c", subcore_axis_name="s")


@functools.partial(
    pl.kernel,
    out_type=(
        jax.ShapeDtypeStruct((NW, NCHUNK, CHUNK), jnp.int32),
        jax.ShapeDtypeStruct((NW, NPAD), jnp.float32),
    ),
    mesh=_mesh,
    scratch_types=[
        pltpu.VMEM((EPW,), jnp.int32),
        pltpu.VMEM((EPW,), jnp.int32),
        pltpu.VMEM((EPW,), jnp.float32),
        pltpu.VMEM((EPW,), jnp.float32),
        pltpu.VMEM((NCHUNK, CHUNK), jnp.int32),
        pltpu.VMEM((NPAD,), jnp.float32),
    ],
    compiler_params=pltpu.CompilerParams(
        needs_layout_passes=False, use_tc_tiling_on_sc=False),
)
def _sc_prep(src_hbm, dst_hbm, ep_hbm, gum_hbm, sel_hbm, deg_hbm,
             srcv, dstv, epv, gumv, selv, degv):
    wid = lax.axis_index("s") * NC + lax.axis_index("c")
    pltpu.sync_copy(src_hbm.at[wid], srcv)
    pltpu.sync_copy(dst_hbm.at[wid], dstv)
    pltpu.sync_copy(ep_hbm.at[wid], epv)
    pltpu.sync_copy(gum_hbm.at[wid], gumv)

    def zero(i, carry):
        degv[pl.ds(i * L, L)] = jnp.zeros((L,), jnp.float32)
        return carry
    lax.fori_loop(0, NPAD // L, zero, 0)

    ones = jnp.ones((L,), jnp.float32)
    dummy = jnp.full((L,), N, jnp.int32)

    def body(g, carry):
        sl = pl.ds(g * L, L)
        y = epv[sl] + gumv[sl]
        m = y > 0.0
        sel = jnp.where(m, srcv[sl], dummy)
        selv[g // 8, pl.ds((g % 8) * L, L)] = sel
        plsc.addupdate_scatter(degv, [dstv[sl]], ones, mask=m)
        return carry
    lax.fori_loop(0, GPW, body, 0)

    def pad(g, carry):
        selv[g // 8, pl.ds((g % 8) * L, L)] = dummy
        return carry
    lax.fori_loop(GPW, EPAD // L, pad, 0)

    pltpu.sync_copy(selv, sel_hbm.at[wid])
    pltpu.sync_copy(degv, deg_hbm.at[wid])


@functools.partial(
    pl.kernel,
    out_type=jax.ShapeDtypeStruct((NC, NPAD, HID), jnp.float32),
    mesh=_mesh,
    scratch_types=[
        pltpu.VMEM((NCHUNK, CHUNK), jnp.int32),
        pltpu.VMEM((NCHUNK, CHUNK), jnp.int32),
        pltpu.VMEM((CHUNK, HID), jnp.float32),
        pltpu.VMEM((ROWS_PT, HID), jnp.float32),
        pltpu.VMEM_SHARED((NPAD, HID), jnp.float32),
        pltpu.SemaphoreType.DMA,
    ],
    compiler_params=pltpu.CompilerParams(
        needs_layout_passes=False, use_tc_tiling_on_sc=False),
)
def _sc_msg(g_hbm, sel_hbm, dstp_hbm, out_hbm, selv, dstv, buf, zbuf, acc, sem):
    c = lax.axis_index("c")
    s = lax.axis_index("s")
    wid = s * NC + c

    def zero(i, carry):
        zbuf[i, :] = jnp.zeros((L,), jnp.float32)
        return carry
    lax.fori_loop(0, ROWS_PT, zero, 0)
    pltpu.sync_copy(zbuf, acc.at[pl.ds(s * ROWS_PT, ROWS_PT)])
    plsc.subcore_barrier()

    pltpu.sync_copy(sel_hbm.at[wid], selv)
    pltpu.sync_copy(dstp_hbm.at[wid], dstv)

    def chunk(j, carry):
        pltpu.async_copy(g_hbm.at[selv.at[j]], buf, sem).wait()
        pltpu.sync_copy(buf, acc.at[dstv.at[j]], add=True)
        return carry
    lax.fori_loop(0, NCHUNK, chunk, 0)

    plsc.subcore_barrier()
    pltpu.sync_copy(acc.at[pl.ds(s * ROWS_PT, ROWS_PT)],
                    out_hbm.at[c, pl.ds(s * ROWS_PT, ROWS_PT)])


def _dinv_body(deg_ref, out_ref):
    d = jnp.sum(deg_ref[...], axis=1, keepdims=True) + 1.0
    out_ref[...] = lax.rsqrt(d)


def _g1_body(x_ref, w1_ref, dinv_ref, out_ref):
    h = jnp.dot(x_ref[...], w1_ref[...], preferred_element_type=jnp.float32)
    out_ref[...] = h * dinv_ref[...]


def _comb1_body(s_ref, g_ref, dinv_ref, b1_ref, w2_ref, out_ref):
    o = (s_ref[0] + s_ref[1] + g_ref[...]) * dinv_ref[...] + b1_ref[...]
    h = jnp.maximum(o, 0.0)
    g2 = jnp.dot(h, w2_ref[...], preferred_element_type=jnp.float32)
    g2 = g2 * dinv_ref[...]
    rows = lax.broadcasted_iota(jnp.int32, (NPAD, C), 0)
    out_ref[...] = jnp.where(rows < N, g2, 0.0)


def _comb2_body(s_ref, g_ref, dinv_ref, b2_ref, out_ref):
    o = (s_ref[0, :N] + s_ref[1, :N] + g_ref[:N]) * dinv_ref[:N] + b2_ref[...]
    m = jnp.max(o, axis=1, keepdims=True)
    lse = jnp.log(jnp.sum(jnp.exp(o - m), axis=1, keepdims=True)) + m
    out_ref[...] = o - lse


def kernel(x, edge_index, edge_probs, W1, b1, W2, b2):
    gkey = jax.random.key(42)
    u = jax.random.uniform(gkey, (E,), minval=1e-9, maxval=1.0 - 1e-9)
    gum = -jnp.log(-jnp.log(u))

    src = edge_index[0].reshape(NW, EPW)
    dst = edge_index[1].reshape(NW, EPW)
    ep2 = edge_probs.reshape(NW, EPW)
    gum2 = gum.reshape(NW, EPW)

    sel, deg_parts = _sc_prep(src, dst, ep2, gum2)

    dstp = jnp.concatenate(
        [dst, jnp.full((NW, EPAD - EPW), N, jnp.int32)], axis=1
    ).reshape(NW, NCHUNK, CHUNK)

    dinv = pl.pallas_call(
        _dinv_body,
        out_shape=jax.ShapeDtypeStruct((NPAD, 1), jnp.float32),
    )(deg_parts.T)

    xp = jnp.pad(x, ((0, NPAD - N), (0, 0)))
    g1 = pl.pallas_call(
        _g1_body,
        out_shape=jax.ShapeDtypeStruct((NPAD, HID), jnp.float32),
    )(xp, W1, dinv)

    s1 = _sc_msg(g1, sel, dstp)

    g2 = pl.pallas_call(
        _comb1_body,
        out_shape=jax.ShapeDtypeStruct((NPAD, C), jnp.float32),
    )(s1, g1, dinv, b1, W2)

    s2 = _sc_msg(g2, sel, dstp)

    out = pl.pallas_call(
        _comb2_body,
        out_shape=jax.ShapeDtypeStruct((N, C), jnp.float32),
    )(s2, g2, dinv, b2)
    return out

# --- scband reference (transcript-rebuilt; emitter-appended) ---
"""Pipeline reference for scband-gcnwith-gib-85804856640340 (READ-ONLY COPY).

The authoritative reference and input builder live on the scoring server;
editing this copy changes nothing except your own understanding.
"""

import jax, jax.numpy as jnp
import numpy as np

N = 10000
E = 320000
F_IN = 128
HID = 16
C = 16


def gcn_conv(x, edge_index, edge_weight, W, b):
    # PyG GCNConv semantics: add self-loops (weight 1), symmetric normalization
    # D^{-1/2} (A + I) D^{-1/2} X W + b, with edge_weight scaling each edge.
    n = x.shape[0]
    src = edge_index[0]
    dst = edge_index[1]
    loop = jnp.arange(n, dtype=src.dtype)
    src = jnp.concatenate([src, loop])
    dst = jnp.concatenate([dst, loop])
    w = jnp.concatenate([edge_weight, jnp.ones((n,), dtype=x.dtype)])
    deg = jax.ops.segment_sum(w, dst, num_segments=n)
    deg_inv_sqrt = jnp.where(deg > 0, 1.0 / jnp.sqrt(jnp.maximum(deg, 1e-12)), 0.0)
    norm = deg_inv_sqrt[src] * deg_inv_sqrt[dst] * w
    h = x @ W
    msg = h[src] * norm[:, None]
    out = jax.ops.segment_sum(msg, dst, num_segments=n)
    return out + b


def setup_inputs(seed: int = 0) -> dict:
    key = jax.random.key(seed)
    k1, k2, k3, k4, k5 = jax.random.split(key, 5)
    x = jax.random.normal(k1, (N, F_IN), dtype=jnp.float32)
    edge_index = jax.random.randint(k2, (2, E), 0, N, dtype=jnp.int32)
    # learned parameters
    edge_probs = jax.random.normal(k3, (E,), dtype=jnp.float32)
    W1 = jax.random.normal(k4, (F_IN, HID), dtype=jnp.float32) * (1.0 / np.sqrt(F_IN))
    b1 = jnp.zeros((HID,), dtype=jnp.float32)
    W2 = jax.random.normal(k5, (HID, C), dtype=jnp.float32) * (1.0 / np.sqrt(HID))
    b2 = jnp.zeros((C,), dtype=jnp.float32)
    return {"x": x, "edge_index": edge_index, "edge_probs": edge_probs,
            "W1": W1, "b1": b1, "W2": W2, "b2": b2}


def reference(x, edge_index, edge_probs, W1, b1, W2, b2):
    # gumbel_softmax(edge_probs): sigmoid((logits + gumbel_noise) / 1.0)
    gkey = jax.random.key(42)
    u = jax.random.uniform(gkey, edge_probs.shape, minval=1e-9, maxval=1.0 - 1e-9)
    gumbel_noise = -jnp.log(-jnp.log(u))
    y = edge_probs + gumbel_noise
    edge_weights = jax.nn.sigmoid(y)
    # selected_edges = edge_index[:, edge_weights > 0.5] -> implemented as a
    # {0,1} edge mask so shapes stay static; masked edges contribute nothing
    # to messages nor to degree normalization, matching edge selection.
    mask = (edge_weights > 0.5).astype(jnp.float32)
    h = jax.nn.relu(gcn_conv(x, edge_index, mask, W1, b1))
    # dropout is identity in eval mode
    out = gcn_conv(h, edge_index, mask, W2, b2)
    return jax.nn.log_softmax(out, axis=1)

if __name__ == "__main__":
    import jax
    _d = setup_inputs()
    print(jax.jit(kernel)(*tuple(_d.values())))

</pallas_src>

<mosaic_0001>
#map = affine_map<(d0, d1) -> (0, 0)>
#map1 = affine_map<(d0, d1) -> (0, 0, 0)>
module attributes {stable_mosaic.version = 14 : i64} {
  func.func @_sc_prep(%arg0: i32, %arg1: i32, %arg2: memref<32x10000xi32, #tpu.memory_space<hbm>>, %arg3: memref<32x10000xi32, #tpu.memory_space<hbm>>, %arg4: memref<32x10000xf32, #tpu.memory_space<hbm>>, %arg5: memref<32x10000xf32, #tpu.memory_space<hbm>>, %arg6: memref<32x79x128xi32, #tpu.memory_space<hbm>>, %arg7: memref<32x10016xf32, #tpu.memory_space<hbm>>, %arg8: memref<10000xi32, #tpu.memory_space<vmem>>, %arg9: memref<10000xi32, #tpu.memory_space<vmem>>, %arg10: memref<10000xf32, #tpu.memory_space<vmem>>, %arg11: memref<10000xf32, #tpu.memory_space<vmem>>, %arg12: memref<79x128xi32, #tpu.memory_space<vmem>>, %arg13: memref<10016xf32, #tpu.memory_space<vmem>>) attributes {dimension_semantics = [#tpu.dimension_semantics<core_parallel>, #tpu.dimension_semantics<subcore_parallel>], iteration_bounds = array<i64: 2, 16>, scalar_prefetch = 0 : i64, scratch_operands = 6 : i64, tpu.core_type = #tpu.core_type<sc_vector_subcore>, window_params = [{transform_indices = #map}, {transform_indices = #map}, {transform_indices = #map}, {transform_indices = #map}, {transform_indices = #map1}, {transform_indices = #map}]} {
    %mul3A = arith.constant 2 : i32
    %mul3A_0 = arith.muli %arg1, %mul3A : i32
    %add3A = arith.addi %mul3A_0, %arg0 : i32
    "tpu.region"() ({
      %run_scoped3A = tpu.sem_alloc : memref<!tpu.dma_semaphore, #tpu.memory_space<semaphore_mem>>
      %dma_start3A = arith.constant 0 : i32
      %dma_start3A_21 = tpu.memref_slice %arg2[%add3A, %dma_start3A] : memref<32x10000xi32, #tpu.memory_space<hbm>> -> memref<1x10000xi32, #tpu.memory_space<hbm>>
      %dma_start3A_22 = tpu.memref_squeeze %dma_start3A_21 : memref<1x10000xi32, #tpu.memory_space<hbm>> -> memref<10000xi32, #tpu.memory_space<hbm>>
      %dma_start3A_23 = arith.constant 0 : i32
      %dma_start3A_24 = tpu.memref_slice %arg2[%add3A, %dma_start3A_23] : memref<32x10000xi32, #tpu.memory_space<hbm>> -> memref<1x10000xi32, #tpu.memory_space<hbm>>
      %dma_start3A_25 = tpu.memref_squeeze %dma_start3A_24 : memref<1x10000xi32, #tpu.memory_space<hbm>> -> memref<10000xi32, #tpu.memory_space<hbm>>
      tpu.enqueue_dma source(%dma_start3A_25 : memref<10000xi32, #tpu.memory_space<hbm>>) target(%arg8 : memref<10000xi32, #tpu.memory_space<vmem>>) target_semaphore(%run_scoped3A : memref<!tpu.dma_semaphore, #tpu.memory_space<semaphore_mem>>)
      %dma_wait3A = arith.constant 0 : i32
      %dma_wait3A_26 = tpu.memref_slice %arg2[%add3A, %dma_wait3A] : memref<32x10000xi32, #tpu.memory_space<hbm>> -> memref<1x10000xi32, #tpu.memory_space<hbm>>
      %dma_wait3A_27 = tpu.memref_squeeze %dma_wait3A_26 : memref<1x10000xi32, #tpu.memory_space<hbm>> -> memref<10000xi32, #tpu.memory_space<hbm>>
      %dma_wait3A_28 = arith.constant 0 : i32
      %dma_wait3A_29 = tpu.memref_slice %arg2[%add3A, %dma_wait3A_28] : memref<32x10000xi32, #tpu.memory_space<hbm>> -> memref<1x10000xi32, #tpu.memory_space<hbm>>
      %dma_wait3A_30 = tpu.memref_squeeze %dma_wait3A_29 : memref<1x10000xi32, #tpu.memory_space<hbm>> -> memref<10000xi32, #tpu.memory_space<hbm>>
      tpu.wait_dma2 semaphore(%run_scoped3A : memref<!tpu.dma_semaphore, #tpu.memory_space<semaphore_mem>>) src(%dma_wait3A_30 : memref<10000xi32, #tpu.memory_space<hbm>>) dst(%arg8 : memref<10000xi32, #tpu.memory_space<vmem>>)
      tpu.yield
    }) : () -> ()
    "tpu.region"() ({
      %run_scoped3A = tpu.sem_alloc : memref<!tpu.dma_semaphore, #tpu.memory_space<semaphore_mem>>
      %dma_start3A = arith.constant 0 : i32
      %dma_start3A_21 = tpu.memref_slice %arg3[%add3A, %dma_start3A] : memref<32x10000xi32, #tpu.memory_space<hbm>> -> memref<1x10000xi32, #tpu.memory_space<hbm>>
      %dma_start3A_22 = tpu.memref_squeeze %dma_start3A_21 : memref<1x10000xi32, #tpu.memory_space<hbm>> -> memref<10000xi32, #tpu.memory_space<hbm>>
      %dma_start3A_23 = arith.constant 0 : i32
      %dma_start3A_24 = tpu.memref_slice %arg3[%add3A, %dma_start3A_23] : memref<32x10000xi32, #tpu.memory_space<hbm>> -> memref<1x10000xi32, #tpu.memory_space<hbm>>
      %dma_start3A_25 = tpu.memref_squeeze %dma_start3A_24 : memref<1x10000xi32, #tpu.memory_space<hbm>> -> memref<10000xi32, #tpu.memory_space<hbm>>
      tpu.enqueue_dma source(%dma_start3A_25 : memref<10000xi32, #tpu.memory_space<hbm>>) target(%arg9 : memref<10000xi32, #tpu.memory_space<vmem>>) target_semaphore(%run_scoped3A : memref<!tpu.dma_semaphore, #tpu.memory_space<semaphore_mem>>)
      %dma_wait3A = arith.constant 0 : i32
      %dma_wait3A_26 = tpu.memref_slice %arg3[%add3A, %dma_wait3A] : memref<32x10000xi32, #tpu.memory_space<hbm>> -> memref<1x10000xi32, #tpu.memory_space<hbm>>
      %dma_wait3A_27 = tpu.memref_squeeze %dma_wait3A_26 : memref<1x10000xi32, #tpu.memory_space<hbm>> -> memref<10000xi32, #tpu.memory_space<hbm>>
      %dma_wait3A_28 = arith.constant 0 : i32
      %dma_wait3A_29 = tpu.memref_slice %arg3[%add3A, %dma_wait3A_28] : memref<32x10000xi32, #tpu.memory_space<hbm>> -> memref<1x10000xi32, #tpu.memory_space<hbm>>
      %dma_wait3A_30 = tpu.memref_squeeze %dma_wait3A_29 : memref<1x10000xi32, #tpu.memory_space<hbm>> -> memref<10000xi32, #tpu.memory_space<hbm>>
      tpu.wait_dma2 semaphore(%run_scoped3A : memref<!tpu.dma_semaphore, #tpu.memory_space<semaphore_mem>>) src(%dma_wait3A_30 : memref<10000xi32, #tpu.memory_space<hbm>>) dst(%arg9 : memref<10000xi32, #tpu.memory_space<vmem>>)
      tpu.yield
    }) : () -> ()
    "tpu.region"() ({
      %run_scoped3A = tpu.sem_alloc : memref<!tpu.dma_semaphore, #tpu.memory_space<semaphore_mem>>
      %dma_start3A = arith.constant 0 : i32
      %dma_start3A_21 = tpu.memref_slice %arg4[%add3A, %dma_start3A] : memref<32x10000xf32, #tpu.memory_space<hbm>> -> memref<1x10000xf32, #tpu.memory_space<hbm>>
      %dma_start3A_22 = tpu.memref_squeeze %dma_start3A_21 : memref<1x10000xf32, #tpu.memory_space<hbm>> -> memref<10000xf32, #tpu.memory_space<hbm>>
      %dma_start3A_23 = arith.constant 0 : i32
      %dma_start3A_24 = tpu.memref_slice %arg4[%add3A, %dma_start3A_23] : memref<32x10000xf32, #tpu.memory_space<hbm>> -> memref<1x10000xf32, #tpu.memory_space<hbm>>
      %dma_start3A_25 = tpu.memref_squeeze %dma_start3A_24 : memref<1x10000xf32, #tpu.memory_space<hbm>> -> memref<10000xf32, #tpu.memory_space<hbm>>
      tpu.enqueue_dma source(%dma_start3A_25 : memref<10000xf32, #tpu.memory_space<hbm>>) target(%arg10 : memref<10000xf32, #tpu.memory_space<vmem>>) target_semaphore(%run_scoped3A : memref<!tpu.dma_semaphore, #tpu.memory_space<semaphore_mem>>)
      %dma_wait3A = arith.constant 0 : i32
      %dma_wait3A_26 = tpu.memref_slice %arg4[%add3A, %dma_wait3A] : memref<32x10000xf32, #tpu.memory_space<hbm>> -> memref<1x10000xf32, #tpu.memory_space<hbm>>
      %dma_wait3A_27 = tpu.memref_squeeze %dma_wait3A_26 : memref<1x10000xf32, #tpu.memory_space<hbm>> -> memref<10000xf32, #tpu.memory_space<hbm>>
      %dma_wait3A_28 = arith.constant 0 : i32
      %dma_wait3A_29 = tpu.memref_slice %arg4[%add3A, %dma_wait3A_28] : memref<32x10000xf32, #tpu.memory_space<hbm>> -> memref<1x10000xf32, #tpu.memory_space<hbm>>
      %dma_wait3A_30 = tpu.memref_squeeze %dma_wait3A_29 : memref<1x10000xf32, #tpu.memory_space<hbm>> -> memref<10000xf32, #tpu.memory_space<hbm>>
      tpu.wait_dma2 semaphore(%run_scoped3A : memref<!tpu.dma_semaphore, #tpu.memory_space<semaphore_mem>>) src(%dma_wait3A_30 : memref<10000xf32, #tpu.memory_space<hbm>>) dst(%arg10 : memref<10000xf32, #tpu.memory_space<vmem>>)
      tpu.yield
    }) : () -> ()
    "tpu.region"() ({
      %run_scoped3A = tpu.sem_alloc : memref<!tpu.dma_semaphore, #tpu.memory_space<semaphore_mem>>
      %dma_start3A = arith.constant 0 : i32
      %dma_start3A_21 = tpu.memref_slice %arg5[%add3A, %dma_start3A] : memref<32x10000xf32, #tpu.memory_space<hbm>> -> memref<1x10000xf32, #tpu.memory_space<hbm>>
      %dma_start3A_22 = tpu.memref_squeeze %dma_start3A_21 : memref<1x10000xf32, #tpu.memory_space<hbm>> -> memref<10000xf32, #tpu.memory_space<hbm>>
      %dma_start3A_23 = arith.constant 0 : i32
      %dma_start3A_24 = tpu.memref_slice %arg5[%add3A, %dma_start3A_23] : memref<32x10000xf32, #tpu.memory_space<hbm>> -> memref<1x10000xf32, #tpu.memory_space<hbm>>
      %dma_start3A_25 = tpu.memref_squeeze %dma_start3A_24 : memref<1x10000xf32, #tpu.memory_space<hbm>> -> memref<10000xf32, #tpu.memory_space<hbm>>
      tpu.enqueue_dma source(%dma_start3A_25 : memref<10000xf32, #tpu.memory_space<hbm>>) target(%arg11 : memref<10000xf32, #tpu.memory_space<vmem>>) target_semaphore(%run_scoped3A : memref<!tpu.dma_semaphore, #tpu.memory_space<semaphore_mem>>)
      %dma_wait3A = arith.constant 0 : i32
      %dma_wait3A_26 = tpu.memref_slice %arg5[%add3A, %dma_wait3A] : memref<32x10000xf32, #tpu.memory_space<hbm>> -> memref<1x10000xf32, #tpu.memory_space<hbm>>
      %dma_wait3A_27 = tpu.memref_squeeze %dma_wait3A_26 : memref<1x10000xf32, #tpu.memory_space<hbm>> -> memref<10000xf32, #tpu.memory_space<hbm>>
      %dma_wait3A_28 = arith.constant 0 : i32
      %dma_wait3A_29 = tpu.memref_slice %arg5[%add3A, %dma_wait3A_28] : memref<32x10000xf32, #tpu.memory_space<hbm>> -> memref<1x10000xf32, #tpu.memory_space<hbm>>
      %dma_wait3A_30 = tpu.memref_squeeze %dma_wait3A_29 : memref<1x10000xf32, #tpu.memory_space<hbm>> -> memref<10000xf32, #tpu.memory_space<hbm>>
      tpu.wait_dma2 semaphore(%run_scoped3A : memref<!tpu.dma_semaphore, #tpu.memory_space<semaphore_mem>>) src(%dma_wait3A_30 : memref<10000xf32, #tpu.memory_space<hbm>>) dst(%arg11 : memref<10000xf32, #tpu.memory_space<vmem>>)
      tpu.yield
    }) : () -> ()
    %scan3A = arith.constant 0 : i32
    %scan3A_1 = arith.constant 0 : i32
    %scan3A_2 = arith.constant 626 : i32
    %scan3A_3 = arith.addi %scan3A_1, %scan3A_2 : i32
    %scan3A_4 = arith.constant 1 : i32
    scf.for %scan3A_21 = %scan3A_1 to %scan3A_3 step %scan3A_4  : i32 {
      %broadcast_in_dim3A_22 = arith.constant 0.000000e+00 : f32
      %broadcast_in_dim3A_23 = vector.broadcast %broadcast_in_dim3A_22 : f32 to vector<16xf32>
      %mul3A_24 = arith.constant 16 : i32
      %mul3A_25 = arith.muli %scan3A_21, %mul3A_24 : i32
      %swap3A = arith.index_cast %mul3A_25 : i32 to index
      %swap3A_26 = tpu.vector_load %arg13[%swap3A] {strides = array<i32>} : memref<10016xf32, #tpu.memory_space<vmem>>, vector<16xf32>,
      tpu.vector_store %arg13[%swap3A], %broadcast_in_dim3A_23 {strides = array<i32>} : memref<10016xf32, #tpu.memory_space<vmem>>, vector<16xf32>,
    }
    %scan3A_5 = arith.constant 626 : i32
    %broadcast_in_dim3A = arith.constant 1.000000e+00 : f32
    %broadcast_in_dim3A_6 = vector.broadcast %broadcast_in_dim3A : f32 to vector<16xf32>
    %broadcast_in_dim3A_7 = arith.constant 10000 : i32
    %broadcast_in_dim3A_8 = vector.broadcast %broadcast_in_dim3A_7 : i32 to vector<16xi32>
    %scan3A_9 = arith.constant 0 : i32
    %scan3A_10 = arith.constant 0 : i32
    %scan3A_11 = arith.constant 625 : i32
    %scan3A_12 = arith.addi %scan3A_10, %scan3A_11 : i32
    %scan3A_13 = arith.constant 1 : i32
    scf.for %scan3A_21 = %scan3A_10 to %scan3A_12 step %scan3A_13  : i32 {
      %mul3A_22 = arith.constant 16 : i32
      %mul3A_23 = arith.muli %scan3A_21, %mul3A_22 : i32
      %get3A = arith.index_cast %mul3A_23 : i32 to index
      %get3A_24 = tpu.vector_load %arg10[%get3A] {strides = array<i32>} : memref<10000xf32, #tpu.memory_space<vmem>>, vector<16xf32>,
      %get3A_25 = arith.index_cast %mul3A_23 : i32 to index
      %get3A_26 = tpu.vector_load %arg11[%get3A_25] {strides = array<i32>} : memref<10000xf32, #tpu.memory_space<vmem>>, vector<16xf32>,
      %add3A_27 = arith.addf %get3A_24, %get3A_26 : vector<16xf32>
      %gt3A = arith.constant 0.000000e+00 : f32
      %gt3A_28 = vector.broadcast %gt3A : f32 to vector<16xf32>
      %gt3A_29 = arith.cmpf ogt, %add3A_27, %gt3A_28 : vector<16xf32>
      %get3A_30 = arith.index_cast %mul3A_23 : i32 to index
      %get3A_31 = tpu.vector_load %arg8[%get3A_30] {strides = array<i32>} : memref<10000xi32, #tpu.memory_space<vmem>>, vector<16xi32>,
      %select_n3A = arith.select %gt3A_29, %get3A_31, %broadcast_in_dim3A_8 : vector<16xi1>, vector<16xi32>
      %jit3A = arith.constant 8 : i32
      %div3A = arith.divsi %scan3A_21, %jit3A : i32
      %sign3A = arith.constant 0 : i32
      %sign3A_32 = arith.cmpi sgt, %scan3A_21, %sign3A : i32
      %sign3A_33 = arith.extui %sign3A_32 : i1 to i32
      %sign3A_34 = arith.constant 0 : i32
      %sign3A_35 = arith.cmpi slt, %scan3A_21, %sign3A_34 : i32
      %sign3A_36 = arith.extui %sign3A_35 : i1 to i32
      %sign3A_37 = arith.subi %sign3A_33, %sign3A_36 : i32
      %sign3A_38 = arith.constant 0 : i32
      %sign3A_39 = arith.cmpi sgt, %jit3A, %sign3A_38 : i32
      %sign3A_40 = arith.extui %sign3A_39 : i1 to i32
      %sign3A_41 = arith.constant 0 : i32
      %sign3A_42 = arith.cmpi slt, %jit3A, %sign3A_41 : i32
      %sign3A_43 = arith.extui %sign3A_42 : i1 to i32
      %sign3A_44 = arith.subi %sign3A_40, %sign3A_43 : i32
      %ne3A = arith.cmpi ne, %sign3A_37, %sign3A_44 : i32
      %rem3A = arith.remsi %scan3A_21, %jit3A : i32
      %ne3A_45 = arith.constant 0 : i32
      %ne3A_46 = arith.cmpi ne, %rem3A, %ne3A_45 : i32
      %and3A = arith.andi %ne3A, %ne3A_46 : i1
      %sub3A = arith.constant 1 : i32
      %sub3A_47 = arith.subi %div3A, %sub3A : i32
      %select_n3A_48 = arith.select %and3A, %sub3A_47, %div3A : i32
      %jit3A_49 = arith.constant 8 : i32
      %eq3A = arith.constant 0 : i32
      %eq3A_50 = arith.cmpi eq, %jit3A_49, %eq3A : i32
      %jit3A_51 = arith.constant 1 : i32
      %select_n3A_52 = arith.select %eq3A_50, %jit3A_51, %jit3A_49 : i32
      %rem3A_53 = arith.remsi %scan3A_21, %select_n3A_52 : i32
      %ne3A_54 = arith.constant 0 : i32
      %ne3A_55 = arith.cmpi ne, %rem3A_53, %ne3A_54 : i32
      %lt3A = arith.constant 0 : i32
      %lt3A_56 = arith.cmpi slt, %rem3A_53, %lt3A : i32
      %lt3A_57 = arith.constant 0 : i32
      %lt3A_58 = arith.cmpi slt, %select_n3A_52, %lt3A_57 : i32
      %ne3A_59 = arith.xori %lt3A_56, %lt3A_58 : i1
      %and3A_60 = arith.andi %ne3A_59, %ne3A_55 : i1
      %add3A_61 = arith.addi %rem3A_53, %select_n3A_52 : i32
      %select_n3A_62 = arith.select %and3A_60, %add3A_61, %rem3A_53 : i32
      %mul3A_63 = arith.constant 16 : i32
      %mul3A_64 = arith.muli %select_n3A_62, %mul3A_63 : i32
      %swap3A = arith.index_cast %select_n3A_48 : i32 to index
      %swap3A_65 = arith.index_cast %mul3A_64 : i32 to index
      %swap3A_66 = tpu.vector_load %arg12[%swap3A, %swap3A_65] {strides = array<i32>} : memref<79x128xi32, #tpu.memory_space<vmem>>, vector<16xi32>,
      tpu.vector_store %arg12[%swap3A, %swap3A_65], %select_n3A {strides = array<i32>} : memref<79x128xi32, #tpu.memory_space<vmem>>, vector<16xi32>,
      %get3A_67 = arith.index_cast %mul3A_23 : i32 to index
      %get3A_68 = tpu.vector_load %arg9[%get3A_67] {strides = array<i32>} : memref<10000xi32, #tpu.memory_space<vmem>>, vector<16xi32>,
      tpu.vector_store_idx %arg13[%get3A_68], %broadcast_in_dim3A_6 masked %gt3A_29 {add = true} : memref<10016xf32, #tpu.memory_space<vmem>>[vector<16xi32>], vector<16xf32>, vector<16xi1>
    }
    %scan3A_14 = arith.constant 625 : i32
    %scan3A_15 = arith.constant 0 : i32
    %scan3A_16 = arith.constant 625 : i32
    %scan3A_17 = arith.constant 7 : i32
    %scan3A_18 = arith.addi %scan3A_16, %scan3A_17 : i32
    %scan3A_19 = arith.constant 1 : i32
    scf.for %scan3A_21 = %scan3A_16 to %scan3A_18 step %scan3A_19  : i32 {
      %jit3A = arith.constant 8 : i32
      %div3A = arith.divsi %scan3A_21, %jit3A : i32
      %sign3A = arith.constant 0 : i32
      %sign3A_22 = arith.cmpi sgt, %scan3A_21, %sign3A : i32
      %sign3A_23 = arith.extui %sign3A_22 : i1 to i32
      %sign3A_24 = arith.constant 0 : i32
      %sign3A_25 = arith.cmpi slt, %scan3A_21, %sign3A_24 : i32
      %sign3A_26 = arith.extui %sign3A_25 : i1 to i32
      %sign3A_27 = arith.subi %sign3A_23, %sign3A_26 : i32
      %sign3A_28 = arith.constant 0 : i32
      %sign3A_29 = arith.cmpi sgt, %jit3A, %sign3A_28 : i32
      %sign3A_30 = arith.extui %sign3A_29 : i1 to i32
      %sign3A_31 = arith.constant 0 : i32
      %sign3A_32 = arith.cmpi slt, %jit3A, %sign3A_31 : i32
      %sign3A_33 = arith.extui %sign3A_32 : i1 to i32
      %sign3A_34 = arith.subi %sign3A_30, %sign3A_33 : i32
      %ne3A = arith.cmpi ne, %sign3A_27, %sign3A_34 : i32
      %rem3A = arith.remsi %scan3A_21, %jit3A : i32
      %ne3A_35 = arith.constant 0 : i32
      %ne3A_36 = arith.cmpi ne, %rem3A, %ne3A_35 : i32
      %and3A = arith.andi %ne3A, %ne3A_36 : i1
      %sub3A = arith.constant 1 : i32
      %sub3A_37 = arith.subi %div3A, %sub3A : i32
      %select_n3A = arith.select %and3A, %sub3A_37, %div3A : i32
      %jit3A_38 = arith.constant 8 : i32
      %eq3A = arith.constant 0 : i32
      %eq3A_39 = arith.cmpi eq, %jit3A_38, %eq3A : i32
      %jit3A_40 = arith.constant 1 : i32
      %select_n3A_41 = arith.select %eq3A_39, %jit3A_40, %jit3A_38 : i32
      %rem3A_42 = arith.remsi %scan3A_21, %select_n3A_41 : i32
      %ne3A_43 = arith.constant 0 : i32
      %ne3A_44 = arith.cmpi ne, %rem3A_42, %ne3A_43 : i32
      %lt3A = arith.constant 0 : i32
      %lt3A_45 = arith.cmpi slt, %rem3A_42, %lt3A : i32
      %lt3A_46 = arith.constant 0 : i32
      %lt3A_47 = arith.cmpi slt, %select_n3A_41, %lt3A_46 : i32
      %ne3A_48 = arith.xori %lt3A_45, %lt3A_47 : i1
      %and3A_49 = arith.andi %ne3A_48, %ne3A_44 : i1
      %add3A_50 = arith.addi %rem3A_42, %select_n3A_41 : i32
      %select_n3A_51 = arith.select %and3A_49, %add3A_50, %rem3A_42 : i32
      %mul3A_52 = arith.constant 16 : i32
      %mul3A_53 = arith.muli %select_n3A_51, %mul3A_52 : i32
      %swap3A = arith.index_cast %select_n3A : i32 to index
      %swap3A_54 = arith.index_cast %mul3A_53 : i32 to index
      %swap3A_55 = tpu.vector_load %arg12[%swap3A, %swap3A_54] {strides = array<i32>} : memref<79x128xi32, #tpu.memory_space<vmem>>, vector<16xi32>,
      tpu.vector_store %arg12[%swap3A, %swap3A_54], %broadcast_in_dim3A_8 {strides = array<i32>} : memref<79x128xi32, #tpu.memory_space<vmem>>, vector<16xi32>,
    }
    %scan3A_20 = arith.constant 7 : i32
    "tpu.region"() ({
      %run_scoped3A = tpu.sem_alloc : memref<!tpu.dma_semaphore, #tpu.memory_space<semaphore_mem>>
      %dma_start3A = arith.constant 0 : i32
      %dma_start3A_21 = arith.constant 0 : i32
      %dma_start3A_22 = tpu.memref_slice %arg6[%add3A, %dma_start3A, %dma_start3A_21] : memref<32x79x128xi32, #tpu.memory_space<hbm>> -> memref<1x79x128xi32, #tpu.memory_space<hbm>>
      %dma_start3A_23 = tpu.memref_squeeze %dma_start3A_22 : memref<1x79x128xi32, #tpu.memory_space<hbm>> -> memref<79x128xi32, #tpu.memory_space<hbm>>
      %dma_start3A_24 = arith.constant 0 : i32
      %dma_start3A_25 = arith.constant 0 : i32
      %dma_start3A_26 = tpu.memref_slice %arg6[%add3A, %dma_start3A_24, %dma_start3A_25] : memref<32x79x128xi32, #tpu.memory_space<hbm>> -> memref<1x79x128xi32, #tpu.memory_space<hbm>>
      %dma_start3A_27 = tpu.memref_squeeze %dma_start3A_26 : memref<1x79x128xi32, #tpu.memory_space<hbm>> -> memref<79x128xi32, #tpu.memory_space<hbm>>
      tpu.enqueue_dma source(%arg12 : memref<79x128xi32, #tpu.memory_space<vmem>>) target(%dma_start3A_27 : memref<79x128xi32, #tpu.memory_space<hbm>>) target_semaphore(%run_scoped3A : memref<!tpu.dma_semaphore, #tpu.memory_space<semaphore_mem>>)
      %dma_wait3A = arith.constant 0 : i32
      %dma_wait3A_28 = arith.constant 0 : i32
      %dma_wait3A_29 = tpu.memref_slice %arg6[%add3A, %dma_wait3A, %dma_wait3A_28] : memref<32x79x128xi32, #tpu.memory_space<hbm>> -> memref<1x79x128xi32, #tpu.memory_space<hbm>>
      %dma_wait3A_30 = tpu.memref_squeeze %dma_wait3A_29 : memref<1x79x128xi32, #tpu.memory_space<hbm>> -> memref<79x128xi32, #tpu.memory_space<hbm>>
      %dma_wait3A_31 = arith.constant 0 : i32
      %dma_wait3A_32 = arith.constant 0 : i32
      %dma_wait3A_33 = tpu.memref_slice %arg6[%add3A, %dma_wait3A_31, %dma_wait3A_32] : memref<32x79x128xi32, #tpu.memory_space<hbm>> -> memref<1x79x128xi32, #tpu.memory_space<hbm>>
      %dma_wait3A_34 = tpu.memref_squeeze %dma_wait3A_33 : memref<1x79x128xi32, #tpu.memory_space<hbm>> -> memref<79x128xi32, #tpu.memory_space<hbm>>
      tpu.wait_dma2 semaphore(%run_scoped3A : memref<!tpu.dma_semaphore, #tpu.memory_space<semaphore_mem>>) src(%arg12 : memref<79x128xi32, #tpu.memory_space<vmem>>) dst(%dma_wait3A_34 : memref<79x128xi32, #tpu.memory_space<hbm>>)
      tpu.yield
    }) : () -> ()
    "tpu.region"() ({
      %run_scoped3A = tpu.sem_alloc : memref<!tpu.dma_semaphore, #tpu.memory_space<semaphore_mem>>
      %dma_start3A = arith.constant 0 : i32
      %dma_start3A_21 = tpu.memref_slice %arg7[%add3A, %dma_start3A] : memref<32x10016xf32, #tpu.memory_space<hbm>> -> memref<1x10016xf32, #tpu.memory_space<hbm>>
      %dma_start3A_22 = tpu.memref_squeeze %dma_start3A_21 : memref<1x10016xf32, #tpu.memory_space<hbm>> -> memref<10016xf32, #tpu.memory_space<hbm>>
      %dma_start3A_23 = arith.constant 0 : i32
      %dma_start3A_24 = tpu.memref_slice %arg7[%add3A, %dma_start3A_23] : memref<32x10016xf32, #tpu.memory_space<hbm>> -> memref<1x10016xf32, #tpu.memory_space<hbm>>
      %dma_start3A_25 = tpu.memref_squeeze %dma_start3A_24 : memref<1x10016xf32, #tpu.memory_space<hbm>> -> memref<10016xf32, #tpu.memory_space<hbm>>
      tpu.enqueue_dma source(%arg13 : memref<10016xf32, #tpu.memory_space<vmem>>) target(%dma_start3A_25 : memref<10016xf32, #tpu.memory_space<hbm>>) target_semaphore(%run_scoped3A : memref<!tpu.dma_semaphore, #tpu.memory_space<semaphore_mem>>)
      %dma_wait3A = arith.constant 0 : i32
      %dma_wait3A_26 = tpu.memref_slice %arg7[%add3A, %dma_wait3A] : memref<32x10016xf32, #tpu.memory_space<hbm>> -> memref<1x10016xf32, #tpu.memory_space<hbm>>
      %dma_wait3A_27 = tpu.memref_squeeze %dma_wait3A_26 : memref<1x10016xf32, #tpu.memory_space<hbm>> -> memref<10016xf32, #tpu.memory_space<hbm>>
      %dma_wait3A_28 = arith.constant 0 : i32
      %dma_wait3A_29 = tpu.memref_slice %arg7[%add3A, %dma_wait3A_28] : memref<32x10016xf32, #tpu.memory_space<hbm>> -> memref<1x10016xf32, #tpu.memory_space<hbm>>
      %dma_wait3A_30 = tpu.memref_squeeze %dma_wait3A_29 : memref<1x10016xf32, #tpu.memory_space<hbm>> -> memref<10016xf32, #tpu.memory_space<hbm>>
      tpu.wait_dma2 semaphore(%run_scoped3A : memref<!tpu.dma_semaphore, #tpu.memory_space<semaphore_mem>>) src(%arg13 : memref<10016xf32, #tpu.memory_space<vmem>>) dst(%dma_wait3A_30 : memref<10016xf32, #tpu.memory_space<hbm>>)
      tpu.yield
    }) : () -> ()
    return
  }
}

#map = affine_map<(d0, d1) -> (0, 0)>
#map1 = affine_map<(d0, d1) -> (0, 0, 0)>
module attributes {stable_mosaic.version = 14 : i64} {
  func.func @_sc_msg(%arg0: i32, %arg1: i32, %arg2: memref<10016x16xf32, #tpu.memory_space<hbm>>, %arg3: memref<32x79x128xi32, #tpu.memory_space<hbm>>, %arg4: memref<32x79x128xi32, #tpu.memory_space<hbm>>, %arg5: memref<2x10016x16xf32, #tpu.memory_space<hbm>>, %arg6: memref<79x128xi32, #tpu.memory_space<vmem>>, %arg7: memref<79x128xi32, #tpu.memory_space<vmem>>, %arg8: memref<128x16xf32, #tpu.memory_space<vmem>>, %arg9: memref<626x16xf32, #tpu.memory_space<vmem>>, %arg10: memref<10016x16xf32, #tpu.memory_space<vmem_shared>>, %arg11: memref<!tpu.dma_semaphore, #tpu.memory_space<semaphore_mem>>) attributes {dimension_semantics = [#tpu.dimension_semantics<core_parallel>, #tpu.dimension_semantics<subcore_parallel>], iteration_bounds = array<i64: 2, 16>, scalar_prefetch = 0 : i64, scratch_operands = 6 : i64, tpu.core_type = #tpu.core_type<sc_vector_subcore>, window_params = [{transform_indices = #map}, {transform_indices = #map1}, {transform_indices = #map1}, {transform_indices = #map1}]} {
    %mul3A = arith.constant 2 : i32
    %mul3A_0 = arith.muli %arg1, %mul3A : i32
    %add3A = arith.addi %mul3A_0, %arg0 : i32
    %scan3A = arith.constant 0 : i32
    %scan3A_1 = arith.constant 0 : i32
    %scan3A_2 = arith.constant 626 : i32
    %scan3A_3 = arith.addi %scan3A_1, %scan3A_2 : i32
    %scan3A_4 = arith.constant 1 : i32
    scf.for %scan3A_19 = %scan3A_1 to %scan3A_3 step %scan3A_4  : i32 {
      %broadcast_in_dim3A = arith.constant 0.000000e+00 : f32
      %broadcast_in_dim3A_20 = vector.broadcast %broadcast_in_dim3A : f32 to vector<16xf32>
      %swap3A = arith.index_cast %scan3A_19 : i32 to index
      %swap3A_21 = arith.constant 0 : index
      %swap3A_22 = tpu.vector_load %arg9[%swap3A, %swap3A_21] {strides = array<i32>} : memref<626x16xf32, #tpu.memory_space<vmem>>, vector<16xf32>,
      tpu.vector_store %arg9[%swap3A, %swap3A_21], %broadcast_in_dim3A_20 {strides = array<i32>} : memref<626x16xf32, #tpu.memory_space<vmem>>, vector<16xf32>,
    }
    %scan3A_5 = arith.constant 626 : i32
    %mul3A_6 = arith.constant 626 : i32
    %mul3A_7 = arith.muli %arg1, %mul3A_6 : i32
    "tpu.region"() ({
      %run_scoped3A = tpu.sem_alloc : memref<!tpu.dma_semaphore, #tpu.memory_space<semaphore_mem>>
      %dma_start3A = arith.constant 0 : i32
      %dma_start3A_19 = tpu.memref_slice %arg10[%mul3A_7, %dma_start3A] : memref<10016x16xf32, #tpu.memory_space<vmem_shared>> -> memref<626x16xf32, #tpu.memory_space<vmem_shared>>
      %dma_start3A_20 = arith.constant 0 : i32
      %dma_start3A_21 = tpu.memref_slice %arg10[%mul3A_7, %dma_start3A_20] : memref<10016x16xf32, #tpu.memory_space<vmem_shared>> -> memref<626x16xf32, #tpu.memory_space<vmem_shared>>
      tpu.enqueue_dma source(%arg9 : memref<626x16xf32, #tpu.memory_space<vmem>>) target(%dma_start3A_21 : memref<626x16xf32, #tpu.memory_space<vmem_shared>>) target_semaphore(%run_scoped3A : memref<!tpu.dma_semaphore, #tpu.memory_space<semaphore_mem>>)
      %dma_wait3A = arith.constant 0 : i32
      %dma_wait3A_22 = tpu.memref_slice %arg10[%mul3A_7, %dma_wait3A] : memref<10016x16xf32, #tpu.memory_space<vmem_shared>> -> memref<626x16xf32, #tpu.memory_space<vmem_shared>>
      %dma_wait3A_23 = arith.constant 0 : i32
      %dma_wait3A_24 = tpu.memref_slice %arg10[%mul3A_7, %dma_wait3A_23] : memref<10016x16xf32, #tpu.memory_space<vmem_shared>> -> memref<626x16xf32, #tpu.memory_space<vmem_shared>>
      tpu.wait_dma2 semaphore(%run_scoped3A : memref<!tpu.dma_semaphore, #tpu.memory_space<semaphore_mem>>) src(%arg9 : memref<626x16xf32, #tpu.memory_space<vmem>>) dst(%dma_wait3A_24 : memref<626x16xf32, #tpu.memory_space<vmem_shared>>)
      tpu.yield
    }) : () -> ()
    %barrier3A = arith.constant 0 : index
    tpu.barrier barrier_id(%barrier3A)
    "tpu.region"() ({
      %run_scoped3A = tpu.sem_alloc : memref<!tpu.dma_semaphore, #tpu.memory_space<semaphore_mem>>
      %dma_start3A = arith.constant 0 : i32
      %dma_start3A_19 = arith.constant 0 : i32
      %dma_start3A_20 = tpu.memref_slice %arg3[%add3A, %dma_start3A, %dma_start3A_19] : memref<32x79x128xi32, #tpu.memory_space<hbm>> -> memref<1x79x128xi32, #tpu.memory_space<hbm>>
      %dma_start3A_21 = tpu.memref_squeeze %dma_start3A_20 : memref<1x79x128xi32, #tpu.memory_space<hbm>> -> memref<79x128xi32, #tpu.memory_space<hbm>>
      %dma_start3A_22 = arith.constant 0 : i32
      %dma_start3A_23 = arith.constant 0 : i32
      %dma_start3A_24 = tpu.memref_slice %arg3[%add3A, %dma_start3A_22, %dma_start3A_23] : memref<32x79x128xi32, #tpu.memory_space<hbm>> -> memref<1x79x128xi32, #tpu.memory_space<hbm>>
      %dma_start3A_25 = tpu.memref_squeeze %dma_start3A_24 : memref<1x79x128xi32, #tpu.memory_space<hbm>> -> memref<79x128xi32, #tpu.memory_space<hbm>>
      tpu.enqueue_dma source(%dma_start3A_25 : memref<79x128xi32, #tpu.memory_space<hbm>>) target(%arg6 : memref<79x128xi32, #tpu.memory_space<vmem>>) target_semaphore(%run_scoped3A : memref<!tpu.dma_semaphore, #tpu.memory_space<semaphore_mem>>)
      %dma_wait3A = arith.constant 0 : i32
      %dma_wait3A_26 = arith.constant 0 : i32
      %dma_wait3A_27 = tpu.memref_slice %arg3[%add3A, %dma_wait3A, %dma_wait3A_26] : memref<32x79x128xi32, #tpu.memory_space<hbm>> -> memref<1x79x128xi32, #tpu.memory_space<hbm>>
      %dma_wait3A_28 = tpu.memref_squeeze %dma_wait3A_27 : memref<1x79x128xi32, #tpu.memory_space<hbm>> -> memref<79x128xi32, #tpu.memory_space<hbm>>
      %dma_wait3A_29 = arith.constant 0 : i32
      %dma_wait3A_30 = arith.constant 0 : i32
      %dma_wait3A_31 = tpu.memref_slice %arg3[%add3A, %dma_wait3A_29, %dma_wait3A_30] : memref<32x79x128xi32, #tpu.memory_space<hbm>> -> memref<1x79x128xi32, #tpu.memory_space<hbm>>
      %dma_wait3A_32 = tpu.memref_squeeze %dma_wait3A_31 : memref<1x79x128xi32, #tpu.memory_space<hbm>> -> memref<79x128xi32, #tpu.memory_space<hbm>>
      tpu.wait_dma2 semaphore(%run_scoped3A : memref<!tpu.dma_semaphore, #tpu.memory_space<semaphore_mem>>) src(%dma_wait3A_32 : memref<79x128xi32, #tpu.memory_space<hbm>>) dst(%arg6 : memref<79x128xi32, #tpu.memory_space<vmem>>)
      tpu.yield
    }) : () -> ()
    "tpu.region"() ({
      %run_scoped3A = tpu.sem_alloc : memref<!tpu.dma_semaphore, #tpu.memory_space<semaphore_mem>>
      %dma_start3A = arith.constant 0 : i32
      %dma_start3A_19 = arith.constant 0 : i32
      %dma_start3A_20 = tpu.memref_slice %arg4[%add3A, %dma_start3A, %dma_start3A_19] : memref<32x79x128xi32, #tpu.memory_space<hbm>> -> memref<1x79x128xi32, #tpu.memory_space<hbm>>
      %dma_start3A_21 = tpu.memref_squeeze %dma_start3A_20 : memref<1x79x128xi32, #tpu.memory_space<hbm>> -> memref<79x128xi32, #tpu.memory_space<hbm>>
      %dma_start3A_22 = arith.constant 0 : i32
      %dma_start3A_23 = arith.constant 0 : i32
      %dma_start3A_24 = tpu.memref_slice %arg4[%add3A, %dma_start3A_22, %dma_start3A_23] : memref<32x79x128xi32, #tpu.memory_space<hbm>> -> memref<1x79x128xi32, #tpu.memory_space<hbm>>
      %dma_start3A_25 = tpu.memref_squeeze %dma_start3A_24 : memref<1x79x128xi32, #tpu.memory_space<hbm>> -> memref<79x128xi32, #tpu.memory_space<hbm>>
      tpu.enqueue_dma source(%dma_start3A_25 : memref<79x128xi32, #tpu.memory_space<hbm>>) target(%arg7 : memref<79x128xi32, #tpu.memory_space<vmem>>) target_semaphore(%run_scoped3A : memref<!tpu.dma_semaphore, #tpu.memory_space<semaphore_mem>>)
      %dma_wait3A = arith.constant 0 : i32
      %dma_wait3A_26 = arith.constant 0 : i32
      %dma_wait3A_27 = tpu.memref_slice %arg4[%add3A, %dma_wait3A, %dma_wait3A_26] : memref<32x79x128xi32, #tpu.memory_space<hbm>> -> memref<1x79x128xi32, #tpu.memory_space<hbm>>
      %dma_wait3A_28 = tpu.memref_squeeze %dma_wait3A_27 : memref<1x79x128xi32, #tpu.memory_space<hbm>> -> memref<79x128xi32, #tpu.memory_space<hbm>>
      %dma_wait3A_29 = arith.constant 0 : i32
      %dma_wait3A_30 = arith.constant 0 : i32
      %dma_wait3A_31 = tpu.memref_slice %arg4[%add3A, %dma_wait3A_29, %dma_wait3A_30] : memref<32x79x128xi32, #tpu.memory_space<hbm>> -> memref<1x79x128xi32, #tpu.memory_space<hbm>>
      %dma_wait3A_32 = tpu.memref_squeeze %dma_wait3A_31 : memref<1x79x128xi32, #tpu.memory_space<hbm>> -> memref<79x128xi32, #tpu.memory_space<hbm>>
      tpu.wait_dma2 semaphore(%run_scoped3A : memref<!tpu.dma_semaphore, #tpu.memory_space<semaphore_mem>>) src(%dma_wait3A_32 : memref<79x128xi32, #tpu.memory_space<hbm>>) dst(%arg7 : memref<79x128xi32, #tpu.memory_space<vmem>>)
      tpu.yield
    }) : () -> ()
    %scan3A_8 = arith.constant 0 : i32
    %scan3A_9 = arith.constant 0 : i32
    %scan3A_10 = arith.constant 79 : i32
    %scan3A_11 = arith.addi %scan3A_9, %scan3A_10 : i32
    %scan3A_12 = arith.constant 1 : i32
    scf.for %scan3A_19 = %scan3A_9 to %scan3A_11 step %scan3A_12  : i32 {
      %dma_start3A = arith.constant 0 : i32
      %dma_start3A_20 = tpu.memref_slice %arg6[%scan3A_19, %dma_start3A] : memref<79x128xi32, #tpu.memory_space<vmem>> -> memref<1x128xi32, #tpu.memory_space<vmem>>
      %dma_start3A_21 = tpu.memref_squeeze %dma_start3A_20 : memref<1x128xi32, #tpu.memory_space<vmem>> -> memref<128xi32, #tpu.memory_space<vmem>>
      %dma_start3A_22 = arith.constant 0 : i32
      %dma_start3A_23 = arith.constant 0 : i32
      %dma_start3A_24 = tpu.memref_slice %arg2[%dma_start3A_22, %dma_start3A_23] : memref<10016x16xf32, #tpu.memory_space<hbm>> -> memref<10016x16xf32, #tpu.memory_space<hbm>>
      tpu.enqueue_indirect_dma source(%dma_start3A_24 : memref<10016x16xf32, #tpu.memory_space<hbm>>) target(%arg8 : memref<128x16xf32, #tpu.memory_space<vmem>>) offsets(%dma_start3A_21 : memref<128xi32, #tpu.memory_space<vmem>>) semaphore(%arg11 : memref<!tpu.dma_semaphore, #tpu.memory_space<semaphore_mem>>)
      %dma_wait3A = arith.constant 0 : i32
      %dma_wait3A_25 = tpu.memref_slice %arg6[%scan3A_19, %dma_wait3A] : memref<79x128xi32, #tpu.memory_space<vmem>> -> memref<1x128xi32, #tpu.memory_space<vmem>>
      %dma_wait3A_26 = tpu.memref_squeeze %dma_wait3A_25 : memref<1x128xi32, #tpu.memory_space<vmem>> -> memref<128xi32, #tpu.memory_space<vmem>>
      %dma_wait3A_27 = arith.constant 0 : i32
      %dma_wait3A_28 = arith.constant 0 : i32
      %dma_wait3A_29 = tpu.memref_slice %arg2[%dma_wait3A_27, %dma_wait3A_28] : memref<10016x16xf32, #tpu.memory_space<hbm>> -> memref<10016x16xf32, #tpu.memory_space<hbm>>
      tpu.wait_indirect_dma semaphore(%arg11 : memref<!tpu.dma_semaphore, #tpu.memory_space<semaphore_mem>>) src(%dma_wait3A_29 : memref<10016x16xf32, #tpu.memory_space<hbm>>) dst(%arg8 : memref<128x16xf32, #tpu.memory_space<vmem>>)
      "tpu.region"() ({
        %run_scoped3A = tpu.sem_alloc : memref<!tpu.dma_semaphore, #tpu.memory_space<semaphore_mem>>
        %dma_start3A_30 = arith.constant 0 : i32
        %dma_start3A_31 = tpu.memref_slice %arg7[%scan3A_19, %dma_start3A_30] : memref<79x128xi32, #tpu.memory_space<vmem>> -> memref<1x128xi32, #tpu.memory_space<vmem>>
        %dma_start3A_32 = tpu.memref_squeeze %dma_start3A_31 : memref<1x128xi32, #tpu.memory_space<vmem>> -> memref<128xi32, #tpu.memory_space<vmem>>
        %dma_start3A_33 = arith.constant 0 : i32
        %dma_start3A_34 = arith.constant 0 : i32
        %dma_start3A_35 = tpu.memref_slice %arg10[%dma_start3A_33, %dma_start3A_34] : memref<10016x16xf32, #tpu.memory_space<vmem_shared>> -> memref<10016x16xf32, #tpu.memory_space<vmem_shared>>
        tpu.enqueue_indirect_dma source(%arg8 : memref<128x16xf32, #tpu.memory_space<vmem>>) target(%dma_start3A_35 : memref<10016x16xf32, #tpu.memory_space<vmem_shared>>) offsets(%dma_start3A_32 : memref<128xi32, #tpu.memory_space<vmem>>) semaphore(%run_scoped3A : memref<!tpu.dma_semaphore, #tpu.memory_space<semaphore_mem>>) {add = true}
        %dma_wait3A_36 = arith.constant 0 : i32
        %dma_wait3A_37 = tpu.memref_slice %arg7[%scan3A_19, %dma_wait3A_36] : memref<79x128xi32, #tpu.memory_space<vmem>> -> memref<1x128xi32, #tpu.memory_space<vmem>>
        %dma_wait3A_38 = tpu.memref_squeeze %dma_wait3A_37 : memref<1x128xi32, #tpu.memory_space<vmem>> -> memref<128xi32, #tpu.memory_space<vmem>>
        %dma_wait3A_39 = arith.constant 0 : i32
        %dma_wait3A_40 = arith.constant 0 : i32
        %dma_wait3A_41 = tpu.memref_slice %arg10[%dma_wait3A_39, %dma_wait3A_40] : memref<10016x16xf32, #tpu.memory_space<vmem_shared>> -> memref<10016x16xf32, #tpu.memory_space<vmem_shared>>
        tpu.wait_indirect_dma semaphore(%run_scoped3A : memref<!tpu.dma_semaphore, #tpu.memory_space<semaphore_mem>>) src(%arg8 : memref<128x16xf32, #tpu.memory_space<vmem>>) dst(%dma_wait3A_41 : memref<10016x16xf32, #tpu.memory_space<vmem_shared>>)
        tpu.yield
      }) : () -> ()
    }
    %scan3A_13 = arith.constant 79 : i32
    %barrier3A_14 = arith.constant 0 : index
    tpu.barrier barrier_id(%barrier3A_14)
    %mul3A_15 = arith.constant 626 : i32
    %mul3A_16 = arith.muli %arg1, %mul3A_15 : i32
    %mul3A_17 = arith.constant 626 : i32
    %mul3A_18 = arith.muli %arg1, %mul3A_17 : i32
    "tpu.region"() ({
      %run_scoped3A = tpu.sem_alloc : memref<!tpu.dma_semaphore, #tpu.memory_space<semaphore_mem>>
      %dma_start3A = arith.constant 0 : i32
      %dma_start3A_19 = tpu.memref_slice %arg5[%arg0, %mul3A_18, %dma_start3A] : memref<2x10016x16xf32, #tpu.memory_space<hbm>> -> memref<1x626x16xf32, #tpu.memory_space<hbm>>
      %dma_start3A_20 = tpu.memref_squeeze %dma_start3A_19 : memref<1x626x16xf32, #tpu.memory_space<hbm>> -> memref<626x16xf32, #tpu.memory_space<hbm>>
      %dma_start3A_21 = arith.constant 0 : i32
      %dma_start3A_22 = tpu.memref_slice %arg10[%mul3A_16, %dma_start3A_21] : memref<10016x16xf32, #tpu.memory_space<vmem_shared>> -> memref<626x16xf32, #tpu.memory_space<vmem_shared>>
      tpu.enqueue_dma source(%dma_start3A_22 : memref<626x16xf32, #tpu.memory_space<vmem_shared>>) target(%dma_start3A_20 : memref<626x16xf32, #tpu.memory_space<hbm>>) target_semaphore(%run_scoped3A : memref<!tpu.dma_semaphore, #tpu.memory_space<semaphore_mem>>)
      %dma_wait3A = arith.constant 0 : i32
      %dma_wait3A_23 = tpu.memref_slice %arg5[%arg0, %mul3A_18, %dma_wait3A] : memref<2x10016x16xf32, #tpu.memory_space<hbm>> -> memref<1x626x16xf32, #tpu.memory_space<hbm>>
      %dma_wait3A_24 = tpu.memref_squeeze %dma_wait3A_23 : memref<1x626x16xf32, #tpu.memory_space<hbm>> -> memref<626x16xf32, #tpu.memory_space<hbm>>
      %dma_wait3A_25 = arith.constant 0 : i32
      %dma_wait3A_26 = tpu.memref_slice %arg10[%mul3A_16, %dma_wait3A_25] : memref<10016x16xf32, #tpu.memory_space<vmem_shared>> -> memref<626x16xf32, #tpu.memory_space<vmem_shared>>
      tpu.wait_dma2 semaphore(%run_scoped3A : memref<!tpu.dma_semaphore, #tpu.memory_space<semaphore_mem>>) src(%dma_wait3A_26 : memref<626x16xf32, #tpu.memory_space<vmem_shared>>) dst(%dma_wait3A_24 : memref<626x16xf32, #tpu.memory_space<hbm>>)
      tpu.yield
    }) : () -> ()
    return
  }
}

#map = affine_map<(d0, d1) -> (0, 0)>
#map1 = affine_map<(d0, d1) -> (0, 0, 0)>
module attributes {stable_mosaic.version = 14 : i64} {
  func.func @_sc_msg(%arg0: i32, %arg1: i32, %arg2: memref<10016x16xf32, #tpu.memory_space<hbm>>, %arg3: memref<32x79x128xi32, #tpu.memory_space<hbm>>, %arg4: memref<32x79x128xi32, #tpu.memory_space<hbm>>, %arg5: memref<2x10016x16xf32, #tpu.memory_space<hbm>>, %arg6: memref<79x128xi32, #tpu.memory_space<vmem>>, %arg7: memref<79x128xi32, #tpu.memory_space<vmem>>, %arg8: memref<128x16xf32, #tpu.memory_space<vmem>>, %arg9: memref<626x16xf32, #tpu.memory_space<vmem>>, %arg10: memref<10016x16xf32, #tpu.memory_space<vmem_shared>>, %arg11: memref<!tpu.dma_semaphore, #tpu.memory_space<semaphore_mem>>) attributes {dimension_semantics = [#tpu.dimension_semantics<core_parallel>, #tpu.dimension_semantics<subcore_parallel>], iteration_bounds = array<i64: 2, 16>, scalar_prefetch = 0 : i64, scratch_operands = 6 : i64, tpu.core_type = #tpu.core_type<sc_vector_subcore>, window_params = [{transform_indices = #map}, {transform_indices = #map1}, {transform_indices = #map1}, {transform_indices = #map1}]} {
    %mul3A = arith.constant 2 : i32
    %mul3A_0 = arith.muli %arg1, %mul3A : i32
    %add3A = arith.addi %mul3A_0, %arg0 : i32
    %scan3A = arith.constant 0 : i32
    %scan3A_1 = arith.constant 0 : i32
    %scan3A_2 = arith.constant 626 : i32
    %scan3A_3 = arith.addi %scan3A_1, %scan3A_2 : i32
    %scan3A_4 = arith.constant 1 : i32
    scf.for %scan3A_19 = %scan3A_1 to %scan3A_3 step %scan3A_4  : i32 {
      %broadcast_in_dim3A = arith.constant 0.000000e+00 : f32
      %broadcast_in_dim3A_20 = vector.broadcast %broadcast_in_dim3A : f32 to vector<16xf32>
      %swap3A = arith.index_cast %scan3A_19 : i32 to index
      %swap3A_21 = arith.constant 0 : index
      %swap3A_22 = tpu.vector_load %arg9[%swap3A, %swap3A_21] {strides = array<i32>} : memref<626x16xf32, #tpu.memory_space<vmem>>, vector<16xf32>,
      tpu.vector_store %arg9[%swap3A, %swap3A_21], %broadcast_in_dim3A_20 {strides = array<i32>} : memref<626x16xf32, #tpu.memory_space<vmem>>, vector<16xf32>,
    }
    %scan3A_5 = arith.constant 626 : i32
    %mul3A_6 = arith.constant 626 : i32
    %mul3A_7 = arith.muli %arg1, %mul3A_6 : i32
    "tpu.region"() ({
      %run_scoped3A = tpu.sem_alloc : memref<!tpu.dma_semaphore, #tpu.memory_space<semaphore_mem>>
      %dma_start3A = arith.constant 0 : i32
      %dma_start3A_19 = tpu.memref_slice %arg10[%mul3A_7, %dma_start3A] : memref<10016x16xf32, #tpu.memory_space<vmem_shared>> -> memref<626x16xf32, #tpu.memory_space<vmem_shared>>
      %dma_start3A_20 = arith.constant 0 : i32
      %dma_start3A_21 = tpu.memref_slice %arg10[%mul3A_7, %dma_start3A_20] : memref<10016x16xf32, #tpu.memory_space<vmem_shared>> -> memref<626x16xf32, #tpu.memory_space<vmem_shared>>
      tpu.enqueue_dma source(%arg9 : memref<626x16xf32, #tpu.memory_space<vmem>>) target(%dma_start3A_21 : memref<626x16xf32, #tpu.memory_space<vmem_shared>>) target_semaphore(%run_scoped3A : memref<!tpu.dma_semaphore, #tpu.memory_space<semaphore_mem>>)
      %dma_wait3A = arith.constant 0 : i32
      %dma_wait3A_22 = tpu.memref_slice %arg10[%mul3A_7, %dma_wait3A] : memref<10016x16xf32, #tpu.memory_space<vmem_shared>> -> memref<626x16xf32, #tpu.memory_space<vmem_shared>>
      %dma_wait3A_23 = arith.constant 0 : i32
      %dma_wait3A_24 = tpu.memref_slice %arg10[%mul3A_7, %dma_wait3A_23] : memref<10016x16xf32, #tpu.memory_space<vmem_shared>> -> memref<626x16xf32, #tpu.memory_space<vmem_shared>>
      tpu.wait_dma2 semaphore(%run_scoped3A : memref<!tpu.dma_semaphore, #tpu.memory_space<semaphore_mem>>) src(%arg9 : memref<626x16xf32, #tpu.memory_space<vmem>>) dst(%dma_wait3A_24 : memref<626x16xf32, #tpu.memory_space<vmem_shared>>)
      tpu.yield
    }) : () -> ()
    %barrier3A = arith.constant 0 : index
    tpu.barrier barrier_id(%barrier3A)
    "tpu.region"() ({
      %run_scoped3A = tpu.sem_alloc : memref<!tpu.dma_semaphore, #tpu.memory_space<semaphore_mem>>
      %dma_start3A = arith.constant 0 : i32
      %dma_start3A_19 = arith.constant 0 : i32
      %dma_start3A_20 = tpu.memref_slice %arg3[%add3A, %dma_start3A, %dma_start3A_19] : memref<32x79x128xi32, #tpu.memory_space<hbm>> -> memref<1x79x128xi32, #tpu.memory_space<hbm>>
      %dma_start3A_21 = tpu.memref_squeeze %dma_start3A_20 : memref<1x79x128xi32, #tpu.memory_space<hbm>> -> memref<79x128xi32, #tpu.memory_space<hbm>>
      %dma_start3A_22 = arith.constant 0 : i32
      %dma_start3A_23 = arith.constant 0 : i32
      %dma_start3A_24 = tpu.memref_slice %arg3[%add3A, %dma_start3A_22, %dma_start3A_23] : memref<32x79x128xi32, #tpu.memory_space<hbm>> -> memref<1x79x128xi32, #tpu.memory_space<hbm>>
      %dma_start3A_25 = tpu.memref_squeeze %dma_start3A_24 : memref<1x79x128xi32, #tpu.memory_space<hbm>> -> memref<79x128xi32, #tpu.memory_space<hbm>>
      tpu.enqueue_dma source(%dma_start3A_25 : memref<79x128xi32, #tpu.memory_space<hbm>>) target(%arg6 : memref<79x128xi32, #tpu.memory_space<vmem>>) target_semaphore(%run_scoped3A : memref<!tpu.dma_semaphore, #tpu.memory_space<semaphore_mem>>)
      %dma_wait3A = arith.constant 0 : i32
      %dma_wait3A_26 = arith.constant 0 : i32
      %dma_wait3A_27 = tpu.memref_slice %arg3[%add3A, %dma_wait3A, %dma_wait3A_26] : memref<32x79x128xi32, #tpu.memory_space<hbm>> -> memref<1x79x128xi32, #tpu.memory_space<hbm>>
      %dma_wait3A_28 = tpu.memref_squeeze %dma_wait3A_27 : memref<1x79x128xi32, #tpu.memory_space<hbm>> -> memref<79x128xi32, #tpu.memory_space<hbm>>
      %dma_wait3A_29 = arith.constant 0 : i32
      %dma_wait3A_30 = arith.constant 0 : i32
      %dma_wait3A_31 = tpu.memref_slice %arg3[%add3A, %dma_wait3A_29, %dma_wait3A_30] : memref<32x79x128xi32, #tpu.memory_space<hbm>> -> memref<1x79x128xi32, #tpu.memory_space<hbm>>
      %dma_wait3A_32 = tpu.memref_squeeze %dma_wait3A_31 : memref<1x79x128xi32, #tpu.memory_space<hbm>> -> memref<79x128xi32, #tpu.memory_space<hbm>>
      tpu.wait_dma2 semaphore(%run_scoped3A : memref<!tpu.dma_semaphore, #tpu.memory_space<semaphore_mem>>) src(%dma_wait3A_32 : memref<79x128xi32, #tpu.memory_space<hbm>>) dst(%arg6 : memref<79x128xi32, #tpu.memory_space<vmem>>)
      tpu.yield
    }) : () -> ()
    "tpu.region"() ({
      %run_scoped3A = tpu.sem_alloc : memref<!tpu.dma_semaphore, #tpu.memory_space<semaphore_mem>>
      %dma_start3A = arith.constant 0 : i32
      %dma_start3A_19 = arith.constant 0 : i32
      %dma_start3A_20 = tpu.memref_slice %arg4[%add3A, %dma_start3A, %dma_start3A_19] : memref<32x79x128xi32, #tpu.memory_space<hbm>> -> memref<1x79x128xi32, #tpu.memory_space<hbm>>
      %dma_start3A_21 = tpu.memref_squeeze %dma_start3A_20 : memref<1x79x128xi32, #tpu.memory_space<hbm>> -> memref<79x128xi32, #tpu.memory_space<hbm>>
      %dma_start3A_22 = arith.constant 0 : i32
      %dma_start3A_23 = arith.constant 0 : i32
      %dma_start3A_24 = tpu.memref_slice %arg4[%add3A, %dma_start3A_22, %dma_start3A_23] : memref<32x79x128xi32, #tpu.memory_space<hbm>> -> memref<1x79x128xi32, #tpu.memory_space<hbm>>
      %dma_start3A_25 = tpu.memref_squeeze %dma_start3A_24 : memref<1x79x128xi32, #tpu.memory_space<hbm>> -> memref<79x128xi32, #tpu.memory_space<hbm>>
      tpu.enqueue_dma source(%dma_start3A_25 : memref<79x128xi32, #tpu.memory_space<hbm>>) target(%arg7 : memref<79x128xi32, #tpu.memory_space<vmem>>) target_semaphore(%run_scoped3A : memref<!tpu.dma_semaphore, #tpu.memory_space<semaphore_mem>>)
      %dma_wait3A = arith.constant 0 : i32
      %dma_wait3A_26 = arith.constant 0 : i32
      %dma_wait3A_27 = tpu.memref_slice %arg4[%add3A, %dma_wait3A, %dma_wait3A_26] : memref<32x79x128xi32, #tpu.memory_space<hbm>> -> memref<1x79x128xi32, #tpu.memory_space<hbm>>
      %dma_wait3A_28 = tpu.memref_squeeze %dma_wait3A_27 : memref<1x79x128xi32, #tpu.memory_space<hbm>> -> memref<79x128xi32, #tpu.memory_space<hbm>>
      %dma_wait3A_29 = arith.constant 0 : i32
      %dma_wait3A_30 = arith.constant 0 : i32
      %dma_wait3A_31 = tpu.memref_slice %arg4[%add3A, %dma_wait3A_29, %dma_wait3A_30] : memref<32x79x128xi32, #tpu.memory_space<hbm>> -> memref<1x79x128xi32, #tpu.memory_space<hbm>>
      %dma_wait3A_32 = tpu.memref_squeeze %dma_wait3A_31 : memref<1x79x128xi32, #tpu.memory_space<hbm>> -> memref<79x128xi32, #tpu.memory_space<hbm>>
      tpu.wait_dma2 semaphore(%run_scoped3A : memref<!tpu.dma_semaphore, #tpu.memory_space<semaphore_mem>>) src(%dma_wait3A_32 : memref<79x128xi32, #tpu.memory_space<hbm>>) dst(%arg7 : memref<79x128xi32, #tpu.memory_space<vmem>>)
      tpu.yield
    }) : () -> ()
    %scan3A_8 = arith.constant 0 : i32
    %scan3A_9 = arith.constant 0 : i32
    %scan3A_10 = arith.constant 79 : i32
    %scan3A_11 = arith.addi %scan3A_9, %scan3A_10 : i32
    %scan3A_12 = arith.constant 1 : i32
    scf.for %scan3A_19 = %scan3A_9 to %scan3A_11 step %scan3A_12  : i32 {
      %dma_start3A = arith.constant 0 : i32
      %dma_start3A_20 = tpu.memref_slice %arg6[%scan3A_19, %dma_start3A] : memref<79x128xi32, #tpu.memory_space<vmem>> -> memref<1x128xi32, #tpu.memory_space<vmem>>
      %dma_start3A_21 = tpu.memref_squeeze %dma_start3A_20 : memref<1x128xi32, #tpu.memory_space<vmem>> -> memref<128xi32, #tpu.memory_space<vmem>>
      %dma_start3A_22 = arith.constant 0 : i32
      %dma_start3A_23 = arith.constant 0 : i32
      %dma_start3A_24 = tpu.memref_slice %arg2[%dma_start3A_22, %dma_start3A_23] : memref<10016x16xf32, #tpu.memory_space<hbm>> -> memref<10016x16xf32, #tpu.memory_space<hbm>>
      tpu.enqueue_indirect_dma source(%dma_start3A_24 : memref<10016x16xf32, #tpu.memory_space<hbm>>) target(%arg8 : memref<128x16xf32, #tpu.memory_space<vmem>>) offsets(%dma_start3A_21 : memref<128xi32, #tpu.memory_space<vmem>>) semaphore(%arg11 : memref<!tpu.dma_semaphore, #tpu.memory_space<semaphore_mem>>)
      %dma_wait3A = arith.constant 0 : i32
      %dma_wait3A_25 = tpu.memref_slice %arg6[%scan3A_19, %dma_wait3A] : memref<79x128xi32, #tpu.memory_space<vmem>> -> memref<1x128xi32, #tpu.memory_space<vmem>>
      %dma_wait3A_26 = tpu.memref_squeeze %dma_wait3A_25 : memref<1x128xi32, #tpu.memory_space<vmem>> -> memref<128xi32, #tpu.memory_space<vmem>>
      %dma_wait3A_27 = arith.constant 0 : i32
      %dma_wait3A_28 = arith.constant 0 : i32
      %dma_wait3A_29 = tpu.memref_slice %arg2[%dma_wait3A_27, %dma_wait3A_28] : memref<10016x16xf32, #tpu.memory_space<hbm>> -> memref<10016x16xf32, #tpu.memory_space<hbm>>
      tpu.wait_indirect_dma semaphore(%arg11 : memref<!tpu.dma_semaphore, #tpu.memory_space<semaphore_mem>>) src(%dma_wait3A_29 : memref<10016x16xf32, #tpu.memory_space<hbm>>) dst(%arg8 : memref<128x16xf32, #tpu.memory_space<vmem>>)
      "tpu.region"() ({
        %run_scoped3A = tpu.sem_alloc : memref<!tpu.dma_semaphore, #tpu.memory_space<semaphore_mem>>
        %dma_start3A_30 = arith.constant 0 : i32
        %dma_start3A_31 = tpu.memref_slice %arg7[%scan3A_19, %dma_start3A_30] : memref<79x128xi32, #tpu.memory_space<vmem>> -> memref<1x128xi32, #tpu.memory_space<vmem>>
        %dma_start3A_32 = tpu.memref_squeeze %dma_start3A_31 : memref<1x128xi32, #tpu.memory_space<vmem>> -> memref<128xi32, #tpu.memory_space<vmem>>
        %dma_start3A_33 = arith.constant 0 : i32
        %dma_start3A_34 = arith.constant 0 : i32
        %dma_start3A_35 = tpu.memref_slice %arg10[%dma_start3A_33, %dma_start3A_34] : memref<10016x16xf32, #tpu.memory_space<vmem_shared>> -> memref<10016x16xf32, #tpu.memory_space<vmem_shared>>
        tpu.enqueue_indirect_dma source(%arg8 : memref<128x16xf32, #tpu.memory_space<vmem>>) target(%dma_start3A_35 : memref<10016x16xf32, #tpu.memory_space<vmem_shared>>) offsets(%dma_start3A_32 : memref<128xi32, #tpu.memory_space<vmem>>) semaphore(%run_scoped3A : memref<!tpu.dma_semaphore, #tpu.memory_space<semaphore_mem>>) {add = true}
        %dma_wait3A_36 = arith.constant 0 : i32
        %dma_wait3A_37 = tpu.memref_slice %arg7[%scan3A_19, %dma_wait3A_36] : memref<79x128xi32, #tpu.memory_space<vmem>> -> memref<1x128xi32, #tpu.memory_space<vmem>>
        %dma_wait3A_38 = tpu.memref_squeeze %dma_wait3A_37 : memref<1x128xi32, #tpu.memory_space<vmem>> -> memref<128xi32, #tpu.memory_space<vmem>>
        %dma_wait3A_39 = arith.constant 0 : i32
        %dma_wait3A_40 = arith.constant 0 : i32
        %dma_wait3A_41 = tpu.memref_slice %arg10[%dma_wait3A_39, %dma_wait3A_40] : memref<10016x16xf32, #tpu.memory_space<vmem_shared>> -> memref<10016x16xf32, #tpu.memory_space<vmem_shared>>
        tpu.wait_indirect_dma semaphore(%run_scoped3A : memref<!tpu.dma_semaphore, #tpu.memory_space<semaphore_mem>>) src(%arg8 : memref<128x16xf32, #tpu.memory_space<vmem>>) dst(%dma_wait3A_41 : memref<10016x16xf32, #tpu.memory_space<vmem_shared>>)
        tpu.yield
      }) : () -> ()
    }
    %scan3A_13 = arith.constant 79 : i32
    %barrier3A_14 = arith.constant 0 : index
    tpu.barrier barrier_id(%barrier3A_14)
    %mul3A_15 = arith.constant 626 : i32
    %mul3A_16 = arith.muli %arg1, %mul3A_15 : i32
    %mul3A_17 = arith.constant 626 : i32
    %mul3A_18 = arith.muli %arg1, %mul3A_17 : i32
    "tpu.region"() ({
      %run_scoped3A = tpu.sem_alloc : memref<!tpu.dma_semaphore, #tpu.memory_space<semaphore_mem>>
      %dma_start3A = arith.constant 0 : i32
      %dma_start3A_19 = tpu.memref_slice %arg5[%arg0, %mul3A_18, %dma_start3A] : memref<2x10016x16xf32, #tpu.memory_space<hbm>> -> memref<1x626x16xf32, #tpu.memory_space<hbm>>
      %dma_start3A_20 = tpu.memref_squeeze %dma_start3A_19 : memref<1x626x16xf32, #tpu.memory_space<hbm>> -> memref<626x16xf32, #tpu.memory_space<hbm>>
      %dma_start3A_21 = arith.constant 0 : i32
      %dma_start3A_22 = tpu.memref_slice %arg10[%mul3A_16, %dma_start3A_21] : memref<10016x16xf32, #tpu.memory_space<vmem_shared>> -> memref<626x16xf32, #tpu.memory_space<vmem_shared>>
      tpu.enqueue_dma source(%dma_start3A_22 : memref<626x16xf32, #tpu.memory_space<vmem_shared>>) target(%dma_start3A_20 : memref<626x16xf32, #tpu.memory_space<hbm>>) target_semaphore(%run_scoped3A : memref<!tpu.dma_semaphore, #tpu.memory_space<semaphore_mem>>)
      %dma_wait3A = arith.constant 0 : i32
      %dma_wait3A_23 = tpu.memref_slice %arg5[%arg0, %mul3A_18, %dma_wait3A] : memref<2x10016x16xf32, #tpu.memory_space<hbm>> -> memref<1x626x16xf32, #tpu.memory_space<hbm>>
      %dma_wait3A_24 = tpu.memref_squeeze %dma_wait3A_23 : memref<1x626x16xf32, #tpu.memory_space<hbm>> -> memref<626x16xf32, #tpu.memory_space<hbm>>
      %dma_wait3A_25 = arith.constant 0 : i32
      %dma_wait3A_26 = tpu.memref_slice %arg10[%mul3A_16, %dma_wait3A_25] : memref<10016x16xf32, #tpu.memory_space<vmem_shared>> -> memref<626x16xf32, #tpu.memory_space<vmem_shared>>
      tpu.wait_dma2 semaphore(%run_scoped3A : memref<!tpu.dma_semaphore, #tpu.memory_space<semaphore_mem>>) src(%dma_wait3A_26 : memref<626x16xf32, #tpu.memory_space<vmem_shared>>) dst(%dma_wait3A_24 : memref<626x16xf32, #tpu.memory_space<hbm>>)
      tpu.yield
    }) : () -> ()
    return
  }
}

module attributes {stable_mosaic.version = 14 : i64} {
  func.func @_dinv_body(%arg0: memref<10016x32xf32, #tpu.memory_space<vmem>>, %arg1: memref<10016x1xf32, #tpu.memory_space<vmem>>) attributes {dimension_semantics = [], scalar_prefetch = 0 : i64, scratch_operands = 0 : i64, tpu.core_type = #tpu.core_type<tc>} {
    %get3A = arith.constant 0 : index
    %get3A_0 = arith.constant 0 : index
    %get3A_1 = vector.load %arg0[%get3A, %get3A_0] : memref<10016x32xf32, #tpu.memory_space<vmem>>, vector<10016x32xf32>
    %reduce_sum3A = arith.constant dense<0.000000e+00> : vector<10016xf32>
    %reduce_sum3A_2 = vector.multi_reduction <add>, %get3A_1, %reduce_sum3A [1] : vector<10016x32xf32> to vector<10016xf32>
    %broadcast_in_dim3A = vector.shape_cast %reduce_sum3A_2 : vector<10016xf32> to vector<10016x1xf32>
    %add3A = arith.constant 1.000000e+00 : f32
    %add3A_3 = vector.broadcast %add3A : f32 to vector<10016x1xf32>
    %add3A_4 = arith.addf %broadcast_in_dim3A, %add3A_3 : vector<10016x1xf32>
    %rsqrt3A = math.rsqrt %add3A_4 : vector<10016x1xf32>
    %swap3A = arith.constant 0 : index
    %swap3A_5 = arith.constant 0 : index
    %swap3A_6 = vector.load %arg1[%swap3A, %swap3A_5] : memref<10016x1xf32, #tpu.memory_space<vmem>>, vector<10016x1xf32>
    tpu.vector_store %arg1[%swap3A, %swap3A_5], %rsqrt3A {strides = array<i32>} : memref<10016x1xf32, #tpu.memory_space<vmem>>, vector<10016x1xf32>,
    return
  }
}

module attributes {stable_mosaic.version = 14 : i64} {
  func.func @_g1_body(%arg0: memref<10016x128xf32, #tpu.memory_space<vmem>>, %arg1: memref<128x16xf32, #tpu.memory_space<vmem>>, %arg2: memref<10016x1xf32, #tpu.memory_space<vmem>>, %arg3: memref<10016x16xf32, #tpu.memory_space<vmem>>) attributes {dimension_semantics = [], scalar_prefetch = 0 : i64, scratch_operands = 0 : i64, tpu.core_type = #tpu.core_type<tc>} {
    %get3A = arith.constant 0 : index
    %get3A_0 = arith.constant 0 : index
    %get3A_1 = vector.load %arg0[%get3A, %get3A_0] : memref<10016x128xf32, #tpu.memory_space<vmem>>, vector<10016x128xf32>
    %get3A_2 = arith.constant 0 : index
    %get3A_3 = arith.constant 0 : index
    %get3A_4 = vector.load %arg1[%get3A_2, %get3A_3] : memref<128x16xf32, #tpu.memory_space<vmem>>, vector<128x16xf32>
    %dot_general3A = arith.constant dense<0.000000e+00> : vector<10016x16xf32>
    %dot_general3A_5 = tpu.matmul %get3A_1, %get3A_4, %dot_general3A {dimension_numbers = #tpu.dot_dimension_numbers<[1], [0], [0], [1], [0, 0, 1, 1], [], []>, transpose_lhs_hint = false} : vector<10016x128xf32>, vector<128x16xf32>, vector<10016x16xf32> -> vector<10016x16xf32>
    %get3A_6 = arith.constant 0 : index
    %get3A_7 = arith.constant 0 : index
    %get3A_8 = vector.load %arg2[%get3A_6, %get3A_7] : memref<10016x1xf32, #tpu.memory_space<vmem>>, vector<10016x1xf32>
    %mul3A = vector.broadcast %get3A_8 : vector<10016x1xf32> to vector<10016x16xf32>
    %mul3A_9 = arith.mulf %dot_general3A_5, %mul3A : vector<10016x16xf32>
    %swap3A = arith.constant 0 : index
    %swap3A_10 = arith.constant 0 : index
    %swap3A_11 = vector.load %arg3[%swap3A, %swap3A_10] : memref<10016x16xf32, #tpu.memory_space<vmem>>, vector<10016x16xf32>
    tpu.vector_store %arg3[%swap3A, %swap3A_10], %mul3A_9 {strides = array<i32>} : memref<10016x16xf32, #tpu.memory_space<vmem>>, vector<10016x16xf32>,
    return
  }
}

module attributes {stable_mosaic.version = 14 : i64} {
  func.func @_comb1_body(%arg0: memref<2x10016x16xf32, #tpu.memory_space<vmem>>, %arg1: memref<10016x16xf32, #tpu.memory_space<vmem>>, %arg2: memref<10016x1xf32, #tpu.memory_space<vmem>>, %arg3: memref<16xf32, #tpu.memory_space<vmem>>, %arg4: memref<16x16xf32, #tpu.memory_space<vmem>>, %arg5: memref<10016x16xf32, #tpu.memory_space<vmem>>) attributes {dimension_semantics = [], scalar_prefetch = 0 : i64, scratch_operands = 0 : i64, tpu.core_type = #tpu.core_type<tc>} {
    %get3A = arith.constant 0 : index
    %get3A_0 = arith.constant 0 : index
    %get3A_1 = arith.constant 0 : index
    %get3A_2 = vector.load %arg0[%get3A, %get3A_0, %get3A_1] : memref<2x10016x16xf32, #tpu.memory_space<vmem>>, vector<1x10016x16xf32>
    %get3A_3 = vector.shape_cast %get3A_2 : vector<1x10016x16xf32> to vector<10016x16xf32>
    %get3A_4 = arith.constant 1 : index
    %get3A_5 = arith.constant 0 : index
    %get3A_6 = arith.constant 0 : index
    %get3A_7 = vector.load %arg0[%get3A_4, %get3A_5, %get3A_6] : memref<2x10016x16xf32, #tpu.memory_space<vmem>>, vector<1x10016x16xf32>
    %get3A_8 = vector.shape_cast %get3A_7 : vector<1x10016x16xf32> to vector<10016x16xf32>
    %add3A = arith.addf %get3A_3, %get3A_8 : vector<10016x16xf32>
    %get3A_9 = arith.constant 0 : index
    %get3A_10 = arith.constant 0 : index
    %get3A_11 = vector.load %arg1[%get3A_9, %get3A_10] : memref<10016x16xf32, #tpu.memory_space<vmem>>, vector<10016x16xf32>
    %add3A_12 = arith.addf %add3A, %get3A_11 : vector<10016x16xf32>
    %get3A_13 = arith.constant 0 : index
    %get3A_14 = arith.constant 0 : index
    %get3A_15 = vector.load %arg2[%get3A_13, %get3A_14] : memref<10016x1xf32, #tpu.memory_space<vmem>>, vector<10016x1xf32>
    %mul3A = vector.broadcast %get3A_15 : vector<10016x1xf32> to vector<10016x16xf32>
    %mul3A_16 = arith.mulf %add3A_12, %mul3A : vector<10016x16xf32>
    %get3A_17 = arith.constant 0 : index
    %get3A_18 = vector.load %arg3[%get3A_17] : memref<16xf32, #tpu.memory_space<vmem>>, vector<16xf32>
    %broadcast_in_dim3A = vector.shape_cast %get3A_18 : vector<16xf32> to vector<1x16xf32>
    %add3A_19 = vector.broadcast %broadcast_in_dim3A : vector<1x16xf32> to vector<10016x16xf32>
    %add3A_20 = arith.addf %mul3A_16, %add3A_19 : vector<10016x16xf32>
    %max3A = arith.constant 0.000000e+00 : f32
    %max3A_21 = vector.broadcast %max3A : f32 to vector<10016x16xf32>
    %max3A_22 = arith.maximumf %add3A_20, %max3A_21 : vector<10016x16xf32>
    %get3A_23 = arith.constant 0 : index
    %get3A_24 = arith.constant 0 : index
    %get3A_25 = vector.load %arg4[%get3A_23, %get3A_24] : memref<16x16xf32, #tpu.memory_space<vmem>>, vector<16x16xf32>
    %dot_general3A = arith.constant dense<0.000000e+00> : vector<10016x16xf32>
    %dot_general3A_26 = tpu.matmul %max3A_22, %get3A_25, %dot_general3A {dimension_numbers = #tpu.dot_dimension_numbers<[1], [0], [0], [1], [0, 0, 1, 1], [], []>, transpose_lhs_hint = false} : vector<10016x16xf32>, vector<16x16xf32>, vector<10016x16xf32> -> vector<10016x16xf32>
    %get3A_27 = arith.constant 0 : index
    %get3A_28 = arith.constant 0 : index
    %get3A_29 = vector.load %arg2[%get3A_27, %get3A_28] : memref<10016x1xf32, #tpu.memory_space<vmem>>, vector<10016x1xf32>
    %mul3A_30 = vector.broadcast %get3A_29 : vector<10016x1xf32> to vector<10016x16xf32>
    %mul3A_31 = arith.mulf %dot_general3A_26, %mul3A_30 : vector<10016x16xf32>
    %iota3A = tpu.iota {dimensions = array<i32: 0>} : vector<10016x16xi32>
    %lt3A = arith.constant 10000 : i32
    %lt3A_32 = vector.broadcast %lt3A : i32 to vector<10016x16xi32>
    %lt3A_33 = arith.cmpi slt, %iota3A, %lt3A_32 : vector<10016x16xi32>
    %jit3A = arith.constant 0.000000e+00 : f32
    %broadcast_in_dim3A_34 = vector.broadcast %jit3A : f32 to vector<10016x16xf32>
    %select_n3A = arith.select %lt3A_33, %mul3A_31, %broadcast_in_dim3A_34 : vector<10016x16xi1>, vector<10016x16xf32>
    %swap3A = arith.constant 0 : index
    %swap3A_35 = arith.constant 0 : index
    %swap3A_36 = vector.load %arg5[%swap3A, %swap3A_35] : memref<10016x16xf32, #tpu.memory_space<vmem>>, vector<10016x16xf32>
    tpu.vector_store %arg5[%swap3A, %swap3A_35], %select_n3A {strides = array<i32>} : memref<10016x16xf32, #tpu.memory_space<vmem>>, vector<10016x16xf32>,
    return
  }
}

module attributes {stable_mosaic.version = 14 : i64} {
  func.func @_comb2_body(%arg0: memref<2x10016x16xf32, #tpu.memory_space<vmem>>, %arg1: memref<10016x16xf32, #tpu.memory_space<vmem>>, %arg2: memref<10016x1xf32, #tpu.memory_space<vmem>>, %arg3: memref<16xf32, #tpu.memory_space<vmem>>, %arg4: memref<10000x16xf32, #tpu.memory_space<vmem>>) attributes {dimension_semantics = [], scalar_prefetch = 0 : i64, scratch_operands = 0 : i64, tpu.core_type = #tpu.core_type<tc>} {
    %get3A = arith.constant 0 : index
    %get3A_0 = arith.constant 0 : index
    %get3A_1 = arith.constant 0 : index
    %get3A_2 = vector.load %arg0[%get3A, %get3A_0, %get3A_1] : memref<2x10016x16xf32, #tpu.memory_space<vmem>>, vector<1x10000x16xf32>
    %get3A_3 = vector.shape_cast %get3A_2 : vector<1x10000x16xf32> to vector<10000x16xf32>
    %get3A_4 = arith.constant 1 : index
    %get3A_5 = arith.constant 0 : index
    %get3A_6 = arith.constant 0 : index
    %get3A_7 = vector.load %arg0[%get3A_4, %get3A_5, %get3A_6] : memref<2x10016x16xf32, #tpu.memory_space<vmem>>, vector<1x10000x16xf32>
    %get3A_8 = vector.shape_cast %get3A_7 : vector<1x10000x16xf32> to vector<10000x16xf32>
    %add3A = arith.addf %get3A_3, %get3A_8 : vector<10000x16xf32>
    %get3A_9 = arith.constant 0 : index
    %get3A_10 = arith.constant 0 : index
    %get3A_11 = vector.load %arg1[%get3A_9, %get3A_10] : memref<10016x16xf32, #tpu.memory_space<vmem>>, vector<10000x16xf32>
    %add3A_12 = arith.addf %add3A, %get3A_11 : vector<10000x16xf32>
    %get3A_13 = arith.constant 0 : index
    %get3A_14 = arith.constant 0 : index
    %get3A_15 = vector.load %arg2[%get3A_13, %get3A_14] : memref<10016x1xf32, #tpu.memory_space<vmem>>, vector<10000x1xf32>
    %mul3A = vector.broadcast %get3A_15 : vector<10000x1xf32> to vector<10000x16xf32>
    %mul3A_16 = arith.mulf %add3A_12, %mul3A : vector<10000x16xf32>
    %get3A_17 = arith.constant 0 : index
    %get3A_18 = vector.load %arg3[%get3A_17] : memref<16xf32, #tpu.memory_space<vmem>>, vector<16xf32>
    %broadcast_in_dim3A = vector.shape_cast %get3A_18 : vector<16xf32> to vector<1x16xf32>
    %add3A_19 = vector.broadcast %broadcast_in_dim3A : vector<1x16xf32> to vector<10000x16xf32>
    %add3A_20 = arith.addf %mul3A_16, %add3A_19 : vector<10000x16xf32>
    %reduce_max3A = arith.constant dense<0xFF800000> : vector<10000xf32>
    %reduce_max3A_21 = vector.multi_reduction <maximumf>, %add3A_20, %reduce_max3A [1] : vector<10000x16xf32> to vector<10000xf32>
    %broadcast_in_dim3A_22 = vector.shape_cast %reduce_max3A_21 : vector<10000xf32> to vector<10000x1xf32>
    %sub3A = vector.broadcast %broadcast_in_dim3A_22 : vector<10000x1xf32> to vector<10000x16xf32>
    %sub3A_23 = arith.subf %add3A_20, %sub3A : vector<10000x16xf32>
    %exp3A = math.exp %sub3A_23 : vector<10000x16xf32>
    %reduce_sum3A = arith.constant dense<0.000000e+00> : vector<10000xf32>
    %reduce_sum3A_24 = vector.multi_reduction <add>, %exp3A, %reduce_sum3A [1] : vector<10000x16xf32> to vector<10000xf32>
    %broadcast_in_dim3A_25 = vector.shape_cast %reduce_sum3A_24 : vector<10000xf32> to vector<10000x1xf32>
    %log3A = math.log %broadcast_in_dim3A_25 : vector<10000x1xf32>
    %add3A_26 = arith.addf %log3A, %broadcast_in_dim3A_22 : vector<10000x1xf32>
    %sub3A_27 = vector.broadcast %add3A_26 : vector<10000x1xf32> to vector<10000x16xf32>
    %sub3A_28 = arith.subf %add3A_20, %sub3A_27 : vector<10000x16xf32>
    %swap3A = arith.constant 0 : index
    %swap3A_29 = arith.constant 0 : index
    %swap3A_30 = vector.load %arg4[%swap3A, %swap3A_29] : memref<10000x16xf32, #tpu.memory_space<vmem>>, vector<10000x16xf32>
    tpu.vector_store %arg4[%swap3A, %swap3A_29], %sub3A_28 {strides = array<i32>} : memref<10000x16xf32, #tpu.memory_space<vmem>>, vector<10000x16xf32>,
    return
  }
}

</mosaic_0001>

<sc_bundles>
// kernel: kernel.12.cloned.1.call-start
scs
__scs_entry_jumppad:
0x0: {  	(pc) =	sbr.rel $0x88, $3  }
0x1: {  	(tag) =	ssettag $0x0;
	lr =	simm.s32 $0x1  }
0x2: {  	[smem:$0x3F9A] =	sst lr;
	_ =	strace $0xD0000000  }
0x3: {  	_ = 	snop  }
0x4: {  	_ = 	snop  }
0x5: {  	_ = 	snop  }
0x6: {  	_ = 	snop  }
0x7: {  	_ = 	snop  }
__scs_overlays_trampoline_lowered:
0x8: {  	[smem:$0x3FA9] =	sst s0  }
0x9: {  	[smem:$0x3FAA] =	sst s1  }
0xa: {  	[smem:$0x3FAB] =	sst s2  }
0xb: {  	[smem:$0x3FAC] =	sst s3  }
0xc: {  	[smem:$0x3FAD] =	sst s4  }
0xd: {  	[smem:$0x3FAE] =	sst s5  }
0xe: {  	[smem:$0x3FAF] =	sst s6  }
0xf: {  	[smem:$0x3FB0] =	sst s7  }
0x10: {  	[smem:$0x3FB1] =	sst s8  }
0x11: {  	[smem:$0x3FB2] =	sst s9;
	s0 =	simm.s32 @!p0 $0x0  }
0x12: {  	s1 =	sld [smem:$0x3F98];
	s0 =	simm.s32 @p0 $0x1  }
0x13: {  	[smem:$0x3FB3] =	sst s0;
	s0 =	simm.s32 @!p1 $0x0  }
0x14: {  	s2 =	sld [smem:$0x3F97];
	s0 =	simm.s32 @p1 $0x1  }
0x15: {  	[smem:$0x3FB4] =	sst s0;
	s0 =	simm.s32 @!p2 $0x0  }
0x16: {  	s3 =	sld [smem:$0x3FDB];
	s0 =	simm.s32 @p2 $0x1  }
0x17: {  	s4 =	simm.s32 $0x1BF5;
	[smem:$0x3FB6] =	sst s0  }
0x18: {  	s0 =	sld [smem:$0x3F99];
	_ =	swait.ge [sflag:s4], $0x0  }
0x19: {  	s7 =	sld [smem:$0x3F9A]  }
0x1a: {  	s8 =	sadd.s32 $0xFFFFE003, lr  }
0x1b: {  	s9 =	sadd.s32 $0xFFFFFEF7, lr;
	s5 =	simm.s32 $0xFFFFFFFF;
	p2 =	slt.u32 s8, $0xFFFFF086  }
0x1c: {  	p1 =	slt.u32 s9, $0xF7A;
	s5 =	simm.s32 @!p2 $0x0  }
0x1d: {  	s5 =	simm.s32 @p1 $0x1;
	p0 =	seq.s32 s7, s2  }
0x1e: {  	s7 =	smul.u32 @!p0 $0xF7A, s2;
	p2 =	seq.s32 @!p0 s5, $0x0  }
0x1f: {  	s9 =	smul.u32 $0xF7A, s1;
	s8 =	simm.s32 @!p0 $0x1BF5;
	p2 =	por !p2, p0  }
0x20: {  	[sflag:s8] =	ssyncset.s32 @!p0 $0xFFFFF086;
	s6 =	sadd.s32 @!p0 s3, s7;
	s7 =	simm.s32 @!p0 $0x108  }
0x21: {  	s3 =	sadd.s32 s3, s9;
	s6 =	sadd.s32 @!p0 $0x88, s6;
	s7 =	simm.s32 @p2 $0x1082  }
0x22: {  	[simem:s7], [sflag:s8] =	dma.local @!p0 [hbm:s6], $0xF7A  }
0x23: {  	s9 =	sor.u32 $0xD0000000, s2;
	s6 =	simm.s32 $0x108;
	_ =	swait.ge @!p0 [sflag:s8], $0x0  }
0x24: {  	s3 =	sadd.s32 $0x88, s3;
	s6 =	simm.s32 @!p1 $0x1082;
	[sflag:s4] =	ssyncset.s32 $0xFFFFF086  }
0x25: {  	[simem:s6], [sflag:s4] =	dma.local [hbm:s3], $0xF7A  }
0x26: {  	[smem:$0x3F9A] =	sst s1;
	(tag) =	ssettag s2;
	_ =	strace s9  }
0x27: {  	s1 =	sld [smem:$0x3FAA]  }
0x28: {  	s2 =	sld [smem:$0x3FAB]  }
0x29: {  	s4 =	sld [smem:$0x3FAD]  }
0x2a: {  	p0 =	seq.s32 s5, $0x0;
	s5 =	sld [smem:$0x3FAE]  }
0x2b: {  	s6 =	sld [smem:$0x3FAF]  }
0x2c: {  	s7 =	sld [smem:$0x3FB0]  }
0x2d: {  	s3 =	simm.s32 $0x108;
	s8 =	sld [smem:$0x3FB1]  }
0x2e: {  	s3 =	simm.s32 @!p0 $0x1082;
	s9 =	sld [smem:$0x3FB2]  }
0x2f: {  	lr =	sadd.s32 s0, s3;
	s0 =	sld [smem:$0x3FA9]  }
0x30: {  	s3 =	sld [smem:$0x3FAC]  }
0x31: {  	[smem:$0x3FB5] =	sst s10  }
0x32: {  	s10 =	sld [smem:$0x3FB3];
	_ =	sdelay $0x3  }
0x33: {  	p0 =	seq.s32 s10, $0x1;
	s10 =	sld [smem:$0x3FB5];
	_ =	sdelay $0x3  }
0x34: {  	[smem:$0x3FB5] =	sst s10  }
0x35: {  	s10 =	sld [smem:$0x3FB4];
	_ =	sdelay $0x3  }
0x36: {  	p1 =	seq.s32 s10, $0x1;
	s10 =	sld [smem:$0x3FB5];
	_ =	sdelay $0x3  }
0x37: {  	[smem:$0x3FB5] =	sst s10  }
0x38: {  	s10 =	sld [smem:$0x3FB6]  }
0x39: {  	_ = 	snop;
	(pc) =	sbr.ind lr, $3  }
0x3a: {  	_ = 	snop  }
0x3b: {  	_ = 	snop  }
0x3c: {  	p2 =	seq.s32 s10, $0x1;
	s10 =	sld [smem:$0x3FB5]  }
0x3d: {  	_ =	shalt  }
0x3e: {  	_ =	shalt  }
0x3f: {  	_ =	shalt  }
0x40: {  	_ =	shalt  }
0x41: {  	_ =	shalt  }
0x42: {  	_ =	shalt  }
0x43: {  	_ =	shalt  }
0x44: {  	_ =	shalt  }
0x45: {  	_ =	shalt  }
0x46: {  	_ =	shalt  }
0x47: {  	_ =	shalt  }
0x48: {  	_ =	shalt  }
0x49: {  	_ =	shalt  }
0x4a: {  	_ =	shalt  }
0x4b: {  	_ =	shalt  }
0x4c: {  	_ =	shalt  }
0x4d: {  	_ =	shalt  }
0x4e: {  	_ =	shalt  }
0x4f: {  	_ =	shalt  }
0x50: {  	_ =	shalt  }
0x51: {  	_ =	shalt  }
0x52: {  	_ =	shalt  }
0x53: {  	_ =	shalt  }
0x54: {  	_ =	shalt  }
0x55: {  	_ =	shalt  }
0x56: {  	_ =	shalt  }
0x57: {  	_ =	shalt  }
0x58: {  	_ =	shalt  }
0x59: {  	_ =	shalt  }
0x5a: {  	_ =	shalt  }
0x5b: {  	_ =	shalt  }
0x5c: {  	_ =	shalt  }
0x5d: {  	_ =	shalt  }
0x5e: {  	_ =	shalt  }
0x5f: {  	_ =	shalt  }
0x60: {  	_ =	shalt  }
0x61: {  	_ =	shalt  }
0x62: {  	_ =	shalt  }
0x63: {  	_ =	shalt  }
0x64: {  	_ =	shalt  }
0x65: {  	_ =	shalt  }
0x66: {  	_ =	shalt  }
0x67: {  	_ =	shalt  }
0x68: {  	_ =	shalt  }
0x69: {  	_ =	shalt  }
0x6a: {  	_ =	shalt  }
0x6b: {  	_ =	shalt  }
0x6c: {  	_ =	shalt  }
0x6d: {  	_ =	shalt  }
0x6e: {  	_ =	shalt  }
0x6f: {  	_ =	shalt  }
0x70: {  	_ =	shalt  }
0x71: {  	_ =	shalt  }
0x72: {  	_ =	shalt  }
0x73: {  	_ =	shalt  }
0x74: {  	_ =	shalt  }
0x75: {  	_ =	shalt  }
0x76: {  	_ =	shalt  }
0x77: {  	_ =	shalt  }
0x78: {  	_ =	shalt  }
0x79: {  	_ =	shalt  }
0x7a: {  	_ =	shalt  }
0x7b: {  	_ =	shalt  }
0x7c: {  	_ =	shalt  }
0x7d: {  	_ =	shalt  }
0x7e: {  	_ =	shalt  }
0x7f: {  	_ =	shalt  }
0x80: {  	_ =	shalt  }
0x81: {  	_ =	shalt  }
0x82: {  	_ =	shalt  }
0x83: {  	_ =	shalt  }
0x84: {  	_ =	shalt  }
0x85: {  	_ =	shalt  }
0x86: {  	_ =	shalt  }
0x87: {  	_ =	shalt  }
.Lfunc_end0:
.L_simem_size_0:
called_computation.1_lowered:
.L_overlay_start_0:
0x88: {  	s2 =	sld [smem:$0x3FD9]  }
0x89: {  	s3 =	sld [smem:$0x3FFE];
	_ =	sdelay $0x1  }
0x8a: {  	s1 =	srdreg.scid  }
0x8b: {  	s0 =	sand.u32 $0x1, s1  }
0x8c: {  	s17 =	sshll.u32 s0, $0xA;
	s2 =	sadd.s32 s3, s2  }
0x8d: {  	s2 =	sadd.s32 s2, s17  }
0x8e: {  	[smem:$0x3FC1] =	sst s2  }
0x8f: {  	_ = 	snop  }
0x90: {  	s2 =	sld [smem:$0x3FD0];
	(tm) =	ssettm $0x1  }
0x91: {  	s18 =	sld [smem:$0x3FFB];
	_ =	sdelay $0x3  }
0x92: {  	_ =	strace s18  }
0x93: {  	s3 =	sld [smem:$0x3FFC];
	_ =	sdelay $0x3  }
0x94: {  	_ =	strace s3  }
0x95: {  	s3 =	sld [smem:$0x3FFD];
	_ =	sdelay $0x3  }
0x96: {  	_ =	strace s3  }
0x97: {  	_ =	strace $0x8FFFFFFF  }
0x98: {  	s19 =	sld [smem:$0x3FDB];
	_ =	sdelay $0x1  }
0x99: {  	s4 =	simm.s32 $_scs_section_size  }
0x9a: {  	s5 =	simm.s32 $_size__tile_overlayer_lowered;
	s6 =	simm.s32 $_tile_overlayer_lowered  }
0x9b: {  	s22 =	simm.s32 $0x1BFF;
	s21 =	sshll.u32 s6, $0x1;
	s3 =	sadd.s32 s4, s19  }
0x9c: {  	s7 =	simm.s32 $0x0;
	s20 =	sshll.u32 s5, $0x1;
	s5 =	sadd.s32 s21, s3  }
0x9d: {  	[timem:s7], [sflag:s22] =	dma.local [hbm:s5], s20  }
0x9e: {  	_ =	swait.ge [sflag:s22], s20  }
0x9f: {  	s4 =	ssub.s32 $0x0, s20;
	[sflag:s22] =	ssyncset.done $0x0  }
0xa0: {  	[sflag:s22] =	ssyncadd.s32 s4;
	_ =	sdelay $0x1  }
0xa1: {  	s23 =	simm.s32 $0x1B8B  }
0xa2: {  	_ =	swait.ge [sflag:s23], $0x1  }
0xa3: {  	[sflag:s23] =	ssyncset.done $0x0  }
0xa4: {  	s25 =	simm.s32 $0x1B8E;
	s24 =	sld [smem:$0x3FFE];
	[sflag:s23] =	ssyncadd.s32 $0xFFFFFFFF  }
0xa5: {  	s26 =	simm.s32 $execute0_lowered;
	[smem:$0x3FD2] =	sst s25  }
0xa6: {  	s5 =	sshll.u32 s26, $0x1;
	_ =	strace $0x80000049;
	[dreg:$0x1] =	wrdreg $0xFFFFFFFF  }
0xa7: {  	s28 =	simm.s32 $_size_execute0_lowered;
	s3 =	sadd.s32 s3, s5;
	[dreg:$0x0] =	wrdreg $0x0  }
0xa8: {  	s5 =	sshll.u32 s28, $0x1;
	[dreg:$0x2] =	wrdreg s3  }
0xa9: {  	[dreg:$0x3] =	wrdreg s5  }
0xaa: {  	[dreg:$0x4] =	wrdreg $0xC0  }
0xab: {  	_ =	task [dreg:s7], $0x5FFFF  }
0xac: {  	[dreg:$0x1] =	wrdreg $0xFFFFFFFF  }
0xad: {  	[dreg:$0x0] =	wrdreg $0x60  }
0xae: {  	[dreg:$0x2] =	wrdreg s2  }
0xaf: {  	[dreg:$0x3] =	wrdreg s24  }
0xb0: {  	[dreg:$0x4] =	wrdreg $0x7E200  }
0xb1: {  	[dreg:$0x5] =	wrdreg $0x9  }
0xb2: {  	_ =	task.clear_ibuf [dreg:s7], $0x6FFFF;
	_ =	strace $0x90000049  }
0xb3: {  	s29 =	simm.s32 $0x9;
	_ =	strace $0x8000004B  }
0xb4: {  	_ =	swait.ge [sflag:s29], $0x1  }
0xb5: {  	[sflag:s29] =	ssyncadd.s32 $0xFFFFFFFF  }
0xb6: {  	_ =	strace $0x9000004B  }
0xb7: {  	_ =	sfence  }
0xb8: {  	s30 =	sld [smem:$0x0];
	_ =	sdelay $0x2  }
0xb9: {  	s31 =	sshll.u32 s1, $0xD;
	s1 =	sshrl.u32 s1, $0x2  }
0xba: {  	s3 =	sand.u32 $0x4000, s31;
	s1 =	sadd.s32 s1, s30  }
0xbb: {  	s0 =	sor.u32 s3, s0;
	s1 =	sshll.u32 s1, $0x11  }
0xbc: {  	s0 =	sor.u32 s1, s0  }
0xbd: {  	s0 =	sadd.s32 $0x8F2B, s0  }
0xbe: {  	[sflag:s0] =	ssyncadd.remote.s32 $0x1  }
0xbf: {  	_ =	sfence.sel $0xFFFF  }
0xc0: {  	[dreg:$0x0] =	wrdreg $0xFFFFFFFF;
	(pc) =	sbr.abs _section_cstart, $3  }
0xc1: {  	[dreg:$0x1] =	wrdreg $0xFFFFFFFF  }
0xc2: {  	_ =	task.clear_ibuf [dreg:s7], $0x2FFFF;
	_ =	strace $0x9FFFFFFF  }
0xc3: {  	(tm) =	ssettm $0x7FFFFFFF  }
tec
execute0_lowered:
.L_overlay_start_1:
0x0: {  	(tag) =	ssettag $0x1  }
0x1: {  	s1 =	rddreg [dreg:$0x0]  }
0x2: {  	s2 =	srdreg.scid;
	s5 =	rddreg [dreg:$0x1]  }
0x3: {  	s0 =	stileid.u32;
	s3 =	rddreg [dreg:$0x2];
	s4 =	simm.s32 $0x0  }
0x4: {  	s11 =	simm.s32 $0x2;
	s12 =	simm.s32 $0x2780;
	s13 =	simm.s32 $0x80  }
0x5: {  	s14 =	simm.s32 $0x4F00;
	s15 =	simm.s32 $0x1;
	s6 =	sand.u32 $0x1, s2  }
0x6: {  	s7 =	smul.u32 $0x2720, s0;
	s8 =	sshll.u32 s0, $0x1;
	s2 =	rddreg [dreg:$0x3]  }
0x7: {  	[smem:$0x7FF] =	sst s4;
	s16 =	sshll.u32 s0, $0x6;
	s9 =	smul.u32 $0x27200, s6  }
0x8: {  	s8 =	sor.u32 s6, s8;
	_ =	strace $0x8000004A;
	s6 =	ssub.s32 $0x2, s6  }
0x9: {  	s8 =	smul.u32 $0x4F0, s8;
	s31 =	sshrl.u32 s6, $0x1;
	s9 =	sadd.s32 s7, s9  }
0xa: {  	s16 =	sor.u32 $0x1C02, s16;
	s10 =	ssub.s32 s6, s31;
	s9 =	sshrl.u32 s9, $0x3  }
0xb: {  	s8 =	sadd.s32 s8, s5;
	s9 =	sadd.s32 s9, s5;
	s5 =	sadd.s32 s7, s3  }
0xc: {  	s6 =	sadd.s32 $0x29400, s8;
	s7 =	sadd.s32 $0x33200, s8;
	s8 =	sadd.s32 $0x1C00, s9  }
0xd: {  	v0 =	vimm.f32 $0.0e+00;
	s9 =	smax.u32 s10, $0x1;
	s10 =	simm.s32 $0x5700;
	s17 =	sshrl.u32 s5, $0x3  }
.LBB2_1:
0xe: {  	s18 =	simm.s32 $0x40;
	s19 =	simm.s32 $0x0  }
.LBB2_2:
0xf: {  	p0 =	sne.s32 s18, $0x9C40;
	[tilespmem:s19+$0x5700] =	vst v0;
	s19 =	smov.u32 s18;
	s18 =	sadd.s32 $0x40, s18  }
.Ltmp0:
0x10: {  	(pc) =	sbr.rel @p0 .LBB2_2-.Ltmp0, $2  }
0x11: {  	_ =	sdelay $0x2  }
0x12: {  	s19 =	sshra.s32 s19, $0x2  }
0x13: {  	[tilespmem:s19+$0x5700] =	vst v0  }
0x14: {  	[spmem:s5] =	stream.linear.scatter [tilespmem:s10], [sflag:$0x2], $0x2720, $0x38;
	[tilespmem:$0xA540] =	vst v63  }
0x15: {  	_ =	swait.ge [sflag:s11], $0x2720  }
0x16: {  	[sflag:s11] =	ssyncset.done $0x0  }
0x17: {  	[sflag:s11] =	ssyncadd.s32 $0xFFFFD8E0  }
0x18: {  	s18 =	simm.s32 $0x0;
	[bflag:$0x0] =	sbarrier.arrive $0xFFFF  }
0x19: {  	[tilespmem:s18], [sflag:$0x2] =	stream.linear.gather [hbm4b:s6+s18], $0x2780, $0x38;
	[tilespmem:$0xA540] =	vst v63  }
0x1a: {  	_ =	swait.ge [sflag:s11], $0x2780  }
0x1b: {  	[sflag:s11] =	ssyncset.done $0x0  }
0x1c: {  	[sflag:s11] =	ssyncadd.s32 $0xFFFFD880  }
0x1d: {  	[tilespmem:s12], [sflag:$0x2] =	stream.linear.gather [hbm4b:s7+s18], $0x2780, $0x38;
	[tilespmem:$0xA540] =	vst v63  }
0x1e: {  	_ =	swait.ge [sflag:s11], $0x2780  }
0x1f: {  	[sflag:s11] =	ssyncset.done $0x0  }
0x20: {  	s30 =	simm.s32 $0x0;
	[sflag:s11] =	ssyncadd.s32 $0xFFFFD880  }
0x21: {  	[tilespmem:s14], [sflag:$0x1] =	stream.indirect.gather [hbm4b:s1+s13], $0x10, s30, s13, $0xb8;
	[tilespmem:$0xA540] =	vst v63  }
0x22: {  	_ =	swait.ge [sflag:s15], $0x800  }
0x23: {  	[sflag:s15] =	ssyncset.done $0x0  }
0x24: {  	s31 =	simm.s32 $0x2780;
	[sflag:s15] =	ssyncadd.s32 $0xFFFFF800  }
0x25: {  	[spmem:s3] =	stream.indirect.scatter.add.f32 [tilespmem:s14], [sflag:$0x2], $0x10, s31, s13, $0xb8;
	[tilespmem:$0xA540] =	vst v63  }
0x26: {  	_ =	swait.ge [sflag:s11], $0x800  }
0x27: {  	s19 =	simm.s32 $0x400;
	s18 =	simm.s32 $0x200;
	[sflag:s11] =	ssyncset.done $0x0  }
.LBB2_4:
0x28: {  	s20 =	sshra.s32 s18, $0x2  }
0x29: {  	[sflag:s11] =	ssyncadd.s32 $0xFFFFF800;
	s18 =	smov.u32 s19;
	s21 =	sadd.s32 $0x200, s19  }
0x2a: {  	[tilespmem:s14], [sflag:$0x1] =	stream.indirect.gather [hbm4b:s1+s13], $0x10, s20, s13, $0xb8;
	[tilespmem:$0xA540] =	vst v63  }
0x2b: {  	p0 =	sne.s32 s19, $0x9C00;
	_ =	swait.ge [sflag:s15], $0x800  }
.Ltmp1:
0x2c: {  	[sflag:s15] =	ssyncset.done $0x0;
	(pc) =	sbr.rel @p0 .LBB2_4-.Ltmp1, $4  }
0x2d: {  	s19 =	sadd.s32 $0x2780, s20;
	[sflag:s15] =	ssyncadd.s32 $0xFFFFF800  }
0x2e: {  	[spmem:s3] =	stream.indirect.scatter.add.f32 [tilespmem:s14], [sflag:$0x2], $0x10, s19, s13, $0xb8;
	[tilespmem:$0xA540] =	vst v63  }
0x2f: {  	_ =	swait.ge [sflag:s11], $0x800  }
0x30: {  	s19 =	smov.u32 s21;
	[sflag:s11] =	ssyncset.done $0x0  }
0x31: {  	s18 =	sshra.s32 s18, $0x2;
	[sflag:s11] =	ssyncadd.s32 $0xFFFFF800  }
0x32: {  	[tilespmem:s14], [sflag:$0x1] =	stream.indirect.gather [hbm4b:s1+s13], $0x10, s18, s13, $0xb8;
	[tilespmem:$0xA540] =	vst v63  }
0x33: {  	_ =	swait.ge [sflag:s15], $0x800  }
0x34: {  	[sflag:s15] =	ssyncset.done $0x0  }
0x35: {  	s18 =	sadd.s32 $0x2780, s18;
	[sflag:s15] =	ssyncadd.s32 $0xFFFFF800  }
0x36: {  	[spmem:s3] =	stream.indirect.scatter.add.f32 [tilespmem:s14], [sflag:$0x2], $0x10, s18, s13, $0xb8;
	[tilespmem:$0xA540] =	vst v63  }
0x37: {  	_ =	swait.ge [sflag:s11], $0x800  }
0x38: {  	s4 =	sadd.s32 $0x1, s4;
	[sflag:s11] =	ssyncset.done $0x0  }
0x39: {  	p0 =	sne.s32 s4, s9;
	[sflag:s11] =	ssyncadd.s32 $0xFFFFF800  }
.Ltmp2:
0x3a: {  	[bflag:$0x0] =	sbarrier.arrive $0xFFFF;
	(pc) =	sbr.rel @p0 .LBB2_1-.Ltmp2, $4  }
0x3b: {  	[hbm:s8], [sflag:s16] =	dma.local [spmem:s17], $0x4E4  }
0x3c: {  	_ =	swait.ge [sflag:s11], $0x4E4  }
0x3d: {  	[sflag:s11] =	ssyncset.done $0x0  }
0x3e: {  	[sflag:s11] =	ssyncadd.s32 $0xFFFFFB1C  }
0x3f: {  	_ =	sfence.sel $0x180000  }
0x40: {  	[bflag:$0x0] =	sbarrier.arrive $0xFFFF  }
0x41: {  	p0 =	sne.s32 s0, $0x0;
	_ =	strace $0x9000004A  }
0x42: {  	s0 =	sadd.s32 @!p0 $0x100000, s2;
	[bflag:$0x2] =	sbarrier.arrive $0xFFFF  }
0x43: {  	[sflag:s0] =	ssyncadd.tile.s32 @!p0 $0x1;
	_ =	shalt  }
.Lfunc_end2:
_tile_overlayer_lowered:
.L_overlay_start_2:
0x44: {  	(tag) =	ssettag $0x2  }
0x45: {  	s0 =	rddreg [dreg:$0x0];
	s2 =	stileid.u32  }
0x46: {  	s1 =	rddreg [dreg:$0x1];
	p0 =	sne.s32 s2, $0x0  }
0x47: {  	s3 =	rddreg [dreg:$0x2];
	[bflag:$0x3] =	sbarrier.arrive $0xFFFF;
	s2 =	simm.s32 @!p0 $0x1C02  }
0x48: {  	[timem:s3], [sflag:s2] =	dma.local @!p0 [hbm:s0], s1  }
0x49: {  	s0 =	simm.s32 @!p0 $0x2  }
0x4a: {  	_ =	swait.ge @!p0 [sflag:s0], s1  }
0x4b: {  	s1 =	ssub.s32 @!p0 $0x0, s1;
	[sflag:s0] =	ssyncset.done @!p0 $0x0  }
0x4c: {  	[sflag:s0] =	ssyncadd.s32 @!p0 s1  }
0x4d: {  	[bflag:$0x3] =	sbarrier.arrive $0xFFFF  }
0x4e: {  	_ =	shalt  }

// kernel: kernel.15.cloned.1.call-start
scs
__scs_entry_jumppad:
0x0: {  	(pc) =	sbr.rel $0x88, $3  }
0x1: {  	(tag) =	ssettag $0x0;
	lr =	simm.s32 $0x1  }
0x2: {  	[smem:$0x3F9A] =	sst lr;
	_ =	strace $0xD0000000  }
0x3: {  	_ = 	snop  }
0x4: {  	_ = 	snop  }
0x5: {  	_ = 	snop  }
0x6: {  	_ = 	snop  }
0x7: {  	_ = 	snop  }
__scs_overlays_trampoline_lowered:
0x8: {  	[smem:$0x3FA9] =	sst s0  }
0x9: {  	[smem:$0x3FAA] =	sst s1  }
0xa: {  	[smem:$0x3FAB] =	sst s2  }
0xb: {  	[smem:$0x3FAC] =	sst s3  }
0xc: {  	[smem:$0x3FAD] =	sst s4  }
0xd: {  	[smem:$0x3FAE] =	sst s5  }
0xe: {  	[smem:$0x3FAF] =	sst s6  }
0xf: {  	[smem:$0x3FB0] =	sst s7  }
0x10: {  	[smem:$0x3FB1] =	sst s8  }
0x11: {  	[smem:$0x3FB2] =	sst s9;
	s0 =	simm.s32 @!p0 $0x0  }
0x12: {  	s1 =	sld [smem:$0x3F98];
	s0 =	simm.s32 @p0 $0x1  }
0x13: {  	[smem:$0x3FB3] =	sst s0;
	s0 =	simm.s32 @!p1 $0x0  }
0x14: {  	s2 =	sld [smem:$0x3F97];
	s0 =	simm.s32 @p1 $0x1  }
0x15: {  	[smem:$0x3FB4] =	sst s0;
	s0 =	simm.s32 @!p2 $0x0  }
0x16: {  	s3 =	sld [smem:$0x3FDB];
	s0 =	simm.s32 @p2 $0x1  }
0x17: {  	s4 =	simm.s32 $0x1BF5;
	[smem:$0x3FB6] =	sst s0  }
0x18: {  	s0 =	sld [smem:$0x3F99];
	_ =	swait.ge [sflag:s4], $0x0  }
0x19: {  	s7 =	sld [smem:$0x3F9A]  }
0x1a: {  	s8 =	sadd.s32 $0xFFFFE003, lr  }
0x1b: {  	s9 =	sadd.s32 $0xFFFFFEF7, lr;
	s5 =	simm.s32 $0xFFFFFFFF;
	p2 =	slt.u32 s8, $0xFFFFF086  }
0x1c: {  	p1 =	slt.u32 s9, $0xF7A;
	s5 =	simm.s32 @!p2 $0x0  }
0x1d: {  	s5 =	simm.s32 @p1 $0x1;
	p0 =	seq.s32 s7, s2  }
0x1e: {  	s7 =	smul.u32 @!p0 $0xF7A, s2;
	p2 =	seq.s32 @!p0 s5, $0x0  }
0x1f: {  	s9 =	smul.u32 $0xF7A, s1;
	s8 =	simm.s32 @!p0 $0x1BF5;
	p2 =	por !p2, p0  }
0x20: {  	[sflag:s8] =	ssyncset.s32 @!p0 $0xFFFFF086;
	s6 =	sadd.s32 @!p0 s3, s7;
	s7 =	simm.s32 @!p0 $0x108  }
0x21: {  	s3 =	sadd.s32 s3, s9;
	s6 =	sadd.s32 @!p0 $0x88, s6;
	s7 =	simm.s32 @p2 $0x1082  }
0x22: {  	[simem:s7], [sflag:s8] =	dma.local @!p0 [hbm:s6], $0xF7A  }
0x23: {  	s9 =	sor.u32 $0xD0000000, s2;
	s6 =	simm.s32 $0x108;
	_ =	swait.ge @!p0 [sflag:s8], $0x0  }
0x24: {  	s3 =	sadd.s32 $0x88, s3;
	s6 =	simm.s32 @!p1 $0x1082;
	[sflag:s4] =	ssyncset.s32 $0xFFFFF086  }
0x25: {  	[simem:s6], [sflag:s4] =	dma.local [hbm:s3], $0xF7A  }
0x26: {  	[smem:$0x3F9A] =	sst s1;
	(tag) =	ssettag s2;
	_ =	strace s9  }
0x27: {  	s1 =	sld [smem:$0x3FAA]  }
0x28: {  	s2 =	sld [smem:$0x3FAB]  }
0x29: {  	s4 =	sld [smem:$0x3FAD]  }
0x2a: {  	p0 =	seq.s32 s5, $0x0;
	s5 =	sld [smem:$0x3FAE]  }
0x2b: {  	s6 =	sld [smem:$0x3FAF]  }
0x2c: {  	s7 =	sld [smem:$0x3FB0]  }
0x2d: {  	s3 =	simm.s32 $0x108;
	s8 =	sld [smem:$0x3FB1]  }
0x2e: {  	s3 =	simm.s32 @!p0 $0x1082;
	s9 =	sld [smem:$0x3FB2]  }
0x2f: {  	lr =	sadd.s32 s0, s3;
	s0 =	sld [smem:$0x3FA9]  }
0x30: {  	s3 =	sld [smem:$0x3FAC]  }
0x31: {  	[smem:$0x3FB5] =	sst s10  }
0x32: {  	s10 =	sld [smem:$0x3FB3];
	_ =	sdelay $0x3  }
0x33: {  	p0 =	seq.s32 s10, $0x1;
	s10 =	sld [smem:$0x3FB5];
	_ =	sdelay $0x3  }
0x34: {  	[smem:$0x3FB5] =	sst s10  }
0x35: {  	s10 =	sld [smem:$0x3FB4];
	_ =	sdelay $0x3  }
0x36: {  	p1 =	seq.s32 s10, $0x1;
	s10 =	sld [smem:$0x3FB5];
	_ =	sdelay $0x3  }
0x37: {  	[smem:$0x3FB5] =	sst s10  }
0x38: {  	s10 =	sld [smem:$0x3FB6]  }
0x39: {  	_ = 	snop;
	(pc) =	sbr.ind lr, $3  }
0x3a: {  	_ = 	snop  }
0x3b: {  	_ = 	snop  }
0x3c: {  	p2 =	seq.s32 s10, $0x1;
	s10 =	sld [smem:$0x3FB5]  }
0x3d: {  	_ =	shalt  }
0x3e: {  	_ =	shalt  }
0x3f: {  	_ =	shalt  }
0x40: {  	_ =	shalt  }
0x41: {  	_ =	shalt  }
0x42: {  	_ =	shalt  }
0x43: {  	_ =	shalt  }
0x44: {  	_ =	shalt  }
0x45: {  	_ =	shalt  }
0x46: {  	_ =	shalt  }
0x47: {  	_ =	shalt  }
0x48: {  	_ =	shalt  }
0x49: {  	_ =	shalt  }
0x4a: {  	_ =	shalt  }
0x4b: {  	_ =	shalt  }
0x4c: {  	_ =	shalt  }
0x4d: {  	_ =	shalt  }
0x4e: {  	_ =	shalt  }
0x4f: {  	_ =	shalt  }
0x50: {  	_ =	shalt  }
0x51: {  	_ =	shalt  }
0x52: {  	_ =	shalt  }
0x53: {  	_ =	shalt  }
0x54: {  	_ =	shalt  }
0x55: {  	_ =	shalt  }
0x56: {  	_ =	shalt  }
0x57: {  	_ =	shalt  }
0x58: {  	_ =	shalt  }
0x59: {  	_ =	shalt  }
0x5a: {  	_ =	shalt  }
0x5b: {  	_ =	shalt  }
0x5c: {  	_ =	shalt  }
0x5d: {  	_ =	shalt  }
0x5e: {  	_ =	shalt  }
0x5f: {  	_ =	shalt  }
0x60: {  	_ =	shalt  }
0x61: {  	_ =	shalt  }
0x62: {  	_ =	shalt  }
0x63: {  	_ =	shalt  }
0x64: {  	_ =	shalt  }
0x65: {  	_ =	shalt  }
0x66: {  	_ =	shalt  }
0x67: {  	_ =	shalt  }
0x68: {  	_ =	shalt  }
0x69: {  	_ =	shalt  }
0x6a: {  	_ =	shalt  }
0x6b: {  	_ =	shalt  }
0x6c: {  	_ =	shalt  }
0x6d: {  	_ =	shalt  }
0x6e: {  	_ =	shalt  }
0x6f: {  	_ =	shalt  }
0x70: {  	_ =	shalt  }
0x71: {  	_ =	shalt  }
0x72: {  	_ =	shalt  }
0x73: {  	_ =	shalt  }
0x74: {  	_ =	shalt  }
0x75: {  	_ =	shalt  }
0x76: {  	_ =	shalt  }
0x77: {  	_ =	shalt  }
0x78: {  	_ =	shalt  }
0x79: {  	_ =	shalt  }
0x7a: {  	_ =	shalt  }
0x7b: {  	_ =	shalt  }
0x7c: {  	_ =	shalt  }
0x7d: {  	_ =	shalt  }
0x7e: {  	_ =	shalt  }
0x7f: {  	_ =	shalt  }
0x80: {  	_ =	shalt  }
0x81: {  	_ =	shalt  }
0x82: {  	_ =	shalt  }
0x83: {  	_ =	shalt  }
0x84: {  	_ =	shalt  }
0x85: {  	_ =	shalt  }
0x86: {  	_ =	shalt  }
0x87: {  	_ =	shalt  }
.Lfunc_end0:
.L_simem_size_0:
called_computation.2_lowered:
.L_overlay_start_0:
0x88: {  	s2 =	sld [smem:$0x3FD9]  }
0x89: {  	s3 =	sld [smem:$0x3FFE];
	_ =	sdelay $0x1  }
0x8a: {  	s1 =	srdreg.scid  }
0x8b: {  	s0 =	sand.u32 $0x1, s1  }
0x8c: {  	s17 =	sshll.u32 s0, $0xA;
	s2 =	sadd.s32 s3, s2  }
0x8d: {  	s2 =	sadd.s32 s2, s17  }
0x8e: {  	[smem:$0x3FC1] =	sst s2  }
0x8f: {  	_ = 	snop  }
0x90: {  	s2 =	sld [smem:$0x3FD0];
	(tm) =	ssettm $0x1  }
0x91: {  	s18 =	sld [smem:$0x3FFB];
	_ =	sdelay $0x3  }
0x92: {  	_ =	strace s18  }
0x93: {  	s3 =	sld [smem:$0x3FFC];
	_ =	sdelay $0x3  }
0x94: {  	_ =	strace s3  }
0x95: {  	s3 =	sld [smem:$0x3FFD];
	_ =	sdelay $0x3  }
0x96: {  	_ =	strace s3  }
0x97: {  	_ =	strace $0x8FFFFFFF  }
0x98: {  	s19 =	sld [smem:$0x3FDB];
	_ =	sdelay $0x1  }
0x99: {  	s4 =	simm.s32 $_scs_section_size  }
0x9a: {  	s5 =	simm.s32 $_size__tile_overlayer_lowered;
	s6 =	simm.s32 $_tile_overlayer_lowered  }
0x9b: {  	s22 =	simm.s32 $0x1BFF;
	s21 =	sshll.u32 s6, $0x1;
	s3 =	sadd.s32 s4, s19  }
0x9c: {  	s7 =	simm.s32 $0x0;
	s20 =	sshll.u32 s5, $0x1;
	s5 =	sadd.s32 s21, s3  }
0x9d: {  	[timem:s7], [sflag:s22] =	dma.local [hbm:s5], s20  }
0x9e: {  	_ =	swait.ge [sflag:s22], s20  }
0x9f: {  	s4 =	ssub.s32 $0x0, s20;
	[sflag:s22] =	ssyncset.done $0x0  }
0xa0: {  	[sflag:s22] =	ssyncadd.s32 s4;
	_ =	sdelay $0x1  }
0xa1: {  	s23 =	simm.s32 $0x1B8B  }
0xa2: {  	_ =	swait.ge [sflag:s23], $0x1  }
0xa3: {  	[sflag:s23] =	ssyncset.done $0x0  }
0xa4: {  	s25 =	simm.s32 $0x1B8E;
	s24 =	sld [smem:$0x3FFE];
	[sflag:s23] =	ssyncadd.s32 $0xFFFFFFFF  }
0xa5: {  	s26 =	simm.s32 $execute0_lowered;
	[smem:$0x3FD2] =	sst s25  }
0xa6: {  	s5 =	sshll.u32 s26, $0x1;
	_ =	strace $0x8000004C;
	[dreg:$0x1] =	wrdreg $0xFFFFFFFF  }
0xa7: {  	s28 =	simm.s32 $_size_execute0_lowered;
	s3 =	sadd.s32 s3, s5;
	[dreg:$0x0] =	wrdreg $0x0  }
0xa8: {  	s5 =	sshll.u32 s28, $0x1;
	[dreg:$0x2] =	wrdreg s3  }
0xa9: {  	[dreg:$0x3] =	wrdreg s5  }
0xaa: {  	[dreg:$0x4] =	wrdreg $0xC0  }
0xab: {  	_ =	task [dreg:s7], $0x5FFFF  }
0xac: {  	[dreg:$0x1] =	wrdreg $0xFFFFFFFF  }
0xad: {  	[dreg:$0x0] =	wrdreg $0x60  }
0xae: {  	[dreg:$0x2] =	wrdreg s2  }
0xaf: {  	[dreg:$0x3] =	wrdreg s24  }
0xb0: {  	[dreg:$0x4] =	wrdreg $0x7E200  }
0xb1: {  	[dreg:$0x5] =	wrdreg $0x9  }
0xb2: {  	_ =	task.clear_ibuf [dreg:s7], $0x6FFFF;
	_ =	strace $0x9000004C  }
0xb3: {  	s29 =	simm.s32 $0x9;
	_ =	strace $0x8000004E  }
0xb4: {  	_ =	swait.ge [sflag:s29], $0x1  }
0xb5: {  	[sflag:s29] =	ssyncadd.s32 $0xFFFFFFFF  }
0xb6: {  	_ =	strace $0x9000004E  }
0xb7: {  	_ =	sfence  }
0xb8: {  	s30 =	sld [smem:$0x0];
	_ =	sdelay $0x2  }
0xb9: {  	s31 =	sshll.u32 s1, $0xD;
	s1 =	sshrl.u32 s1, $0x2  }
0xba: {  	s3 =	sand.u32 $0x4000, s31;
	s1 =	sadd.s32 s1, s30  }
0xbb: {  	s0 =	sor.u32 s3, s0;
	s1 =	sshll.u32 s1, $0x11  }
0xbc: {  	s0 =	sor.u32 s1, s0  }
0xbd: {  	s0 =	sadd.s32 $0x8F2B, s0  }
0xbe: {  	[sflag:s0] =	ssyncadd.remote.s32 $0x1  }
0xbf: {  	_ =	sfence.sel $0xFFFF  }
0xc0: {  	[dreg:$0x0] =	wrdreg $0xFFFFFFFF;
	(pc) =	sbr.abs _section_cstart, $3  }
0xc1: {  	[dreg:$0x1] =	wrdreg $0xFFFFFFFF  }
0xc2: {  	_ =	task.clear_ibuf [dreg:s7], $0x2FFFF;
	_ =	strace $0x9FFFFFFF  }
0xc3: {  	(tm) =	ssettm $0x7FFFFFFF  }
tec
execute0_lowered:
.L_overlay_start_1:
0x0: {  	(tag) =	ssettag $0x1  }
0x1: {  	s1 =	rddreg [dreg:$0x0]  }
0x2: {  	s2 =	srdreg.scid;
	s5 =	rddreg [dreg:$0x1]  }
0x3: {  	s0 =	stileid.u32;
	s3 =	rddreg [dreg:$0x2];
	s4 =	simm.s32 $0x0  }
0x4: {  	s11 =	simm.s32 $0x2;
	s12 =	simm.s32 $0x2780;
	s13 =	simm.s32 $0x80  }
0x5: {  	s14 =	simm.s32 $0x4F00;
	s15 =	simm.s32 $0x1;
	s6 =	sand.u32 $0x1, s2  }
0x6: {  	s7 =	smul.u32 $0x2720, s0;
	s8 =	sshll.u32 s0, $0x1;
	s2 =	rddreg [dreg:$0x3]  }
0x7: {  	[smem:$0x7FF] =	sst s4;
	s16 =	sshll.u32 s0, $0x6;
	s9 =	smul.u32 $0x27200, s6  }
0x8: {  	s8 =	sor.u32 s6, s8;
	_ =	strace $0x8000004D;
	s6 =	ssub.s32 $0x2, s6  }
0x9: {  	s8 =	smul.u32 $0x4F0, s8;
	s31 =	sshrl.u32 s6, $0x1;
	s9 =	sadd.s32 s7, s9  }
0xa: {  	s16 =	sor.u32 $0x1C02, s16;
	s10 =	ssub.s32 s6, s31;
	s9 =	sshrl.u32 s9, $0x3  }
0xb: {  	s8 =	sadd.s32 s8, s5;
	s9 =	sadd.s32 s9, s5;
	s5 =	sadd.s32 s7, s3  }
0xc: {  	s6 =	sadd.s32 $0x29400, s8;
	s7 =	sadd.s32 $0x33200, s8;
	s8 =	sadd.s32 $0x1C00, s9  }
0xd: {  	v0 =	vimm.f32 $0.0e+00;
	s9 =	smax.u32 s10, $0x1;
	s10 =	simm.s32 $0x5700;
	s17 =	sshrl.u32 s5, $0x3  }
.LBB2_1:
0xe: {  	s18 =	simm.s32 $0x40;
	s19 =	simm.s32 $0x0  }
.LBB2_2:
0xf: {  	p0 =	sne.s32 s18, $0x9C40;
	[tilespmem:s19+$0x5700] =	vst v0;
	s19 =	smov.u32 s18;
	s18 =	sadd.s32 $0x40, s18  }
.Ltmp0:
0x10: {  	(pc) =	sbr.rel @p0 .LBB2_2-.Ltmp0, $2  }
0x11: {  	_ =	sdelay $0x2  }
0x12: {  	s19 =	sshra.s32 s19, $0x2  }
0x13: {  	[tilespmem:s19+$0x5700] =	vst v0  }
0x14: {  	[spmem:s5] =	stream.linear.scatter [tilespmem:s10], [sflag:$0x2], $0x2720, $0x38;
	[tilespmem:$0xA540] =	vst v63  }
0x15: {  	_ =	swait.ge [sflag:s11], $0x2720  }
0x16: {  	[sflag:s11] =	ssyncset.done $0x0  }
0x17: {  	[sflag:s11] =	ssyncadd.s32 $0xFFFFD8E0  }
0x18: {  	s18 =	simm.s32 $0x0;
	[bflag:$0x0] =	sbarrier.arrive $0xFFFF  }
0x19: {  	[tilespmem:s18], [sflag:$0x2] =	stream.linear.gather [hbm4b:s6+s18], $0x2780, $0x38;
	[tilespmem:$0xA540] =	vst v63  }
0x1a: {  	_ =	swait.ge [sflag:s11], $0x2780  }
0x1b: {  	[sflag:s11] =	ssyncset.done $0x0  }
0x1c: {  	[sflag:s11] =	ssyncadd.s32 $0xFFFFD880  }
0x1d: {  	[tilespmem:s12], [sflag:$0x2] =	stream.linear.gather [hbm4b:s7+s18], $0x2780, $0x38;
	[tilespmem:$0xA540] =	vst v63  }
0x1e: {  	_ =	swait.ge [sflag:s11], $0x2780  }
0x1f: {  	[sflag:s11] =	ssyncset.done $0x0  }
0x20: {  	s30 =	simm.s32 $0x0;
	[sflag:s11] =	ssyncadd.s32 $0xFFFFD880  }
0x21: {  	[tilespmem:s14], [sflag:$0x1] =	stream.indirect.gather [hbm4b:s1+s13], $0x10, s30, s13, $0xb8;
	[tilespmem:$0xA540] =	vst v63  }
0x22: {  	_ =	swait.ge [sflag:s15], $0x800  }
0x23: {  	[sflag:s15] =	ssyncset.done $0x0  }
0x24: {  	s31 =	simm.s32 $0x2780;
	[sflag:s15] =	ssyncadd.s32 $0xFFFFF800  }
0x25: {  	[spmem:s3] =	stream.indirect.scatter.add.f32 [tilespmem:s14], [sflag:$0x2], $0x10, s31, s13, $0xb8;
	[tilespmem:$0xA540] =	vst v63  }
0x26: {  	_ =	swait.ge [sflag:s11], $0x800  }
0x27: {  	s19 =	simm.s32 $0x400;
	s18 =	simm.s32 $0x200;
	[sflag:s11] =	ssyncset.done $0x0  }
.LBB2_4:
0x28: {  	s20 =	sshra.s32 s18, $0x2  }
0x29: {  	[sflag:s11] =	ssyncadd.s32 $0xFFFFF800;
	s18 =	smov.u32 s19;
	s21 =	sadd.s32 $0x200, s19  }
0x2a: {  	[tilespmem:s14], [sflag:$0x1] =	stream.indirect.gather [hbm4b:s1+s13], $0x10, s20, s13, $0xb8;
	[tilespmem:$0xA540] =	vst v63  }
0x2b: {  	p0 =	sne.s32 s19, $0x9C00;
	_ =	swait.ge [sflag:s15], $0x800  }
.Ltmp1:
0x2c: {  	[sflag:s15] =	ssyncset.done $0x0;
	(pc) =	sbr.rel @p0 .LBB2_4-.Ltmp1, $4  }
0x2d: {  	s19 =	sadd.s32 $0x2780, s20;
	[sflag:s15] =	ssyncadd.s32 $0xFFFFF800  }
0x2e: {  	[spmem:s3] =	stream.indirect.scatter.add.f32 [tilespmem:s14], [sflag:$0x2], $0x10, s19, s13, $0xb8;
	[tilespmem:$0xA540] =	vst v63  }
0x2f: {  	_ =	swait.ge [sflag:s11], $0x800  }
0x30: {  	s19 =	smov.u32 s21;
	[sflag:s11] =	ssyncset.done $0x0  }
0x31: {  	s18 =	sshra.s32 s18, $0x2;
	[sflag:s11] =	ssyncadd.s32 $0xFFFFF800  }
0x32: {  	[tilespmem:s14], [sflag:$0x1] =	stream.indirect.gather [hbm4b:s1+s13], $0x10, s18, s13, $0xb8;
	[tilespmem:$0xA540] =	vst v63  }
0x33: {  	_ =	swait.ge [sflag:s15], $0x800  }
0x34: {  	[sflag:s15] =	ssyncset.done $0x0  }
0x35: {  	s18 =	sadd.s32 $0x2780, s18;
	[sflag:s15] =	ssyncadd.s32 $0xFFFFF800  }
0x36: {  	[spmem:s3] =	stream.indirect.scatter.add.f32 [tilespmem:s14], [sflag:$0x2], $0x10, s18, s13, $0xb8;
	[tilespmem:$0xA540] =	vst v63  }
0x37: {  	_ =	swait.ge [sflag:s11], $0x800  }
0x38: {  	s4 =	sadd.s32 $0x1, s4;
	[sflag:s11] =	ssyncset.done $0x0  }
0x39: {  	p0 =	sne.s32 s4, s9;
	[sflag:s11] =	ssyncadd.s32 $0xFFFFF800  }
.Ltmp2:
0x3a: {  	[bflag:$0x0] =	sbarrier.arrive $0xFFFF;
	(pc) =	sbr.rel @p0 .LBB2_1-.Ltmp2, $4  }
0x3b: {  	[hbm:s8], [sflag:s16] =	dma.local [spmem:s17], $0x4E4  }
0x3c: {  	_ =	swait.ge [sflag:s11], $0x4E4  }
0x3d: {  	[sflag:s11] =	ssyncset.done $0x0  }
0x3e: {  	[sflag:s11] =	ssyncadd.s32 $0xFFFFFB1C  }
0x3f: {  	_ =	sfence.sel $0x180000  }
0x40: {  	[bflag:$0x0] =	sbarrier.arrive $0xFFFF  }
0x41: {  	p0 =	sne.s32 s0, $0x0;
	_ =	strace $0x9000004D  }
0x42: {  	s0 =	sadd.s32 @!p0 $0x100000, s2;
	[bflag:$0x2] =	sbarrier.arrive $0xFFFF  }
0x43: {  	[sflag:s0] =	ssyncadd.tile.s32 @!p0 $0x1;
	_ =	shalt  }
.Lfunc_end2:
_tile_overlayer_lowered:
.L_overlay_start_2:
0x44: {  	(tag) =	ssettag $0x2  }
0x45: {  	s0 =	rddreg [dreg:$0x0];
	s2 =	stileid.u32  }
0x46: {  	s1 =	rddreg [dreg:$0x1];
	p0 =	sne.s32 s2, $0x0  }
0x47: {  	s3 =	rddreg [dreg:$0x2];
	[bflag:$0x3] =	sbarrier.arrive $0xFFFF;
	s2 =	simm.s32 @!p0 $0x1C02  }
0x48: {  	[timem:s3], [sflag:s2] =	dma.local @!p0 [hbm:s0], s1  }
0x49: {  	s0 =	simm.s32 @!p0 $0x2  }
0x4a: {  	_ =	swait.ge @!p0 [sflag:s0], s1  }
0x4b: {  	s1 =	ssub.s32 @!p0 $0x0, s1;
	[sflag:s0] =	ssyncset.done @!p0 $0x0  }
0x4c: {  	[sflag:s0] =	ssyncadd.s32 @!p0 s1  }
0x4d: {  	[bflag:$0x3] =	sbarrier.arrive $0xFFFF  }
0x4e: {  	_ =	shalt  }

// kernel: kernel.9.cloned.1.call-start
scs
__scs_entry_jumppad:
0x0: {  	(pc) =	sbr.rel $0x88, $3  }
0x1: {  	(tag) =	ssettag $0x0;
	lr =	simm.s32 $0x1  }
0x2: {  	[smem:$0x3F9A] =	sst lr;
	_ =	strace $0xD0000000  }
0x3: {  	_ = 	snop  }
0x4: {  	_ = 	snop  }
0x5: {  	_ = 	snop  }
0x6: {  	_ = 	snop  }
0x7: {  	_ = 	snop  }
__scs_overlays_trampoline_lowered:
0x8: {  	[smem:$0x3FA9] =	sst s0  }
0x9: {  	[smem:$0x3FAA] =	sst s1  }
0xa: {  	[smem:$0x3FAB] =	sst s2  }
0xb: {  	[smem:$0x3FAC] =	sst s3  }
0xc: {  	[smem:$0x3FAD] =	sst s4  }
0xd: {  	[smem:$0x3FAE] =	sst s5  }
0xe: {  	[smem:$0x3FAF] =	sst s6  }
0xf: {  	[smem:$0x3FB0] =	sst s7  }
0x10: {  	[smem:$0x3FB1] =	sst s8  }
0x11: {  	[smem:$0x3FB2] =	sst s9;
	s0 =	simm.s32 @!p0 $0x0  }
0x12: {  	s1 =	sld [smem:$0x3F98];
	s0 =	simm.s32 @p0 $0x1  }
0x13: {  	[smem:$0x3FB3] =	sst s0;
	s0 =	simm.s32 @!p1 $0x0  }
0x14: {  	s2 =	sld [smem:$0x3F97];
	s0 =	simm.s32 @p1 $0x1  }
0x15: {  	[smem:$0x3FB4] =	sst s0;
	s0 =	simm.s32 @!p2 $0x0  }
0x16: {  	s3 =	sld [smem:$0x3FDB];
	s0 =	simm.s32 @p2 $0x1  }
0x17: {  	s4 =	simm.s32 $0x1BF5;
	[smem:$0x3FB6] =	sst s0  }
0x18: {  	s0 =	sld [smem:$0x3F99];
	_ =	swait.ge [sflag:s4], $0x0  }
0x19: {  	s7 =	sld [smem:$0x3F9A]  }
0x1a: {  	s8 =	sadd.s32 $0xFFFFE003, lr  }
0x1b: {  	s9 =	sadd.s32 $0xFFFFFEF7, lr;
	s5 =	simm.s32 $0xFFFFFFFF;
	p2 =	slt.u32 s8, $0xFFFFF086  }
0x1c: {  	p1 =	slt.u32 s9, $0xF7A;
	s5 =	simm.s32 @!p2 $0x0  }
0x1d: {  	s5 =	simm.s32 @p1 $0x1;
	p0 =	seq.s32 s7, s2  }
0x1e: {  	s7 =	smul.u32 @!p0 $0xF7A, s2;
	p2 =	seq.s32 @!p0 s5, $0x0  }
0x1f: {  	s9 =	smul.u32 $0xF7A, s1;
	s8 =	simm.s32 @!p0 $0x1BF5;
	p2 =	por !p2, p0  }
0x20: {  	[sflag:s8] =	ssyncset.s32 @!p0 $0xFFFFF086;
	s6 =	sadd.s32 @!p0 s3, s7;
	s7 =	simm.s32 @!p0 $0x108  }
0x21: {  	s3 =	sadd.s32 s3, s9;
	s6 =	sadd.s32 @!p0 $0x88, s6;
	s7 =	simm.s32 @p2 $0x1082  }
0x22: {  	[simem:s7], [sflag:s8] =	dma.local @!p0 [hbm:s6], $0xF7A  }
0x23: {  	s9 =	sor.u32 $0xD0000000, s2;
	s6 =	simm.s32 $0x108;
	_ =	swait.ge @!p0 [sflag:s8], $0x0  }
0x24: {  	s3 =	sadd.s32 $0x88, s3;
	s6 =	simm.s32 @!p1 $0x1082;
	[sflag:s4] =	ssyncset.s32 $0xFFFFF086  }
0x25: {  	[simem:s6], [sflag:s4] =	dma.local [hbm:s3], $0xF7A  }
0x26: {  	[smem:$0x3F9A] =	sst s1;
	(tag) =	ssettag s2;
	_ =	strace s9  }
0x27: {  	s1 =	sld [smem:$0x3FAA]  }
0x28: {  	s2 =	sld [smem:$0x3FAB]  }
0x29: {  	s4 =	sld [smem:$0x3FAD]  }
0x2a: {  	p0 =	seq.s32 s5, $0x0;
	s5 =	sld [smem:$0x3FAE]  }
0x2b: {  	s6 =	sld [smem:$0x3FAF]  }
0x2c: {  	s7 =	sld [smem:$0x3FB0]  }
0x2d: {  	s3 =	simm.s32 $0x108;
	s8 =	sld [smem:$0x3FB1]  }
0x2e: {  	s3 =	simm.s32 @!p0 $0x1082;
	s9 =	sld [smem:$0x3FB2]  }
0x2f: {  	lr =	sadd.s32 s0, s3;
	s0 =	sld [smem:$0x3FA9]  }
0x30: {  	s3 =	sld [smem:$0x3FAC]  }
0x31: {  	[smem:$0x3FB5] =	sst s10  }
0x32: {  	s10 =	sld [smem:$0x3FB3];
	_ =	sdelay $0x3  }
0x33: {  	p0 =	seq.s32 s10, $0x1;
	s10 =	sld [smem:$0x3FB5];
	_ =	sdelay $0x3  }
0x34: {  	[smem:$0x3FB5] =	sst s10  }
0x35: {  	s10 =	sld [smem:$0x3FB4];
	_ =	sdelay $0x3  }
0x36: {  	p1 =	seq.s32 s10, $0x1;
	s10 =	sld [smem:$0x3FB5];
	_ =	sdelay $0x3  }
0x37: {  	[smem:$0x3FB5] =	sst s10  }
0x38: {  	s10 =	sld [smem:$0x3FB6]  }
0x39: {  	_ = 	snop;
	(pc) =	sbr.ind lr, $3  }
0x3a: {  	_ = 	snop  }
0x3b: {  	_ = 	snop  }
0x3c: {  	p2 =	seq.s32 s10, $0x1;
	s10 =	sld [smem:$0x3FB5]  }
0x3d: {  	_ =	shalt  }
0x3e: {  	_ =	shalt  }
0x3f: {  	_ =	shalt  }
0x40: {  	_ =	shalt  }
0x41: {  	_ =	shalt  }
0x42: {  	_ =	shalt  }
0x43: {  	_ =	shalt  }
0x44: {  	_ =	shalt  }
0x45: {  	_ =	shalt  }
0x46: {  	_ =	shalt  }
0x47: {  	_ =	shalt  }
0x48: {  	_ =	shalt  }
0x49: {  	_ =	shalt  }
0x4a: {  	_ =	shalt  }
0x4b: {  	_ =	shalt  }
0x4c: {  	_ =	shalt  }
0x4d: {  	_ =	shalt  }
0x4e: {  	_ =	shalt  }
0x4f: {  	_ =	shalt  }
0x50: {  	_ =	shalt  }
0x51: {  	_ =	shalt  }
0x52: {  	_ =	shalt  }
0x53: {  	_ =	shalt  }
0x54: {  	_ =	shalt  }
0x55: {  	_ =	shalt  }
0x56: {  	_ =	shalt  }
0x57: {  	_ =	shalt  }
0x58: {  	_ =	shalt  }
0x59: {  	_ =	shalt  }
0x5a: {  	_ =	shalt  }
0x5b: {  	_ =	shalt  }
0x5c: {  	_ =	shalt  }
0x5d: {  	_ =	shalt  }
0x5e: {  	_ =	shalt  }
0x5f: {  	_ =	shalt  }
0x60: {  	_ =	shalt  }
0x61: {  	_ =	shalt  }
0x62: {  	_ =	shalt  }
0x63: {  	_ =	shalt  }
0x64: {  	_ =	shalt  }
0x65: {  	_ =	shalt  }
0x66: {  	_ =	shalt  }
0x67: {  	_ =	shalt  }
0x68: {  	_ =	shalt  }
0x69: {  	_ =	shalt  }
0x6a: {  	_ =	shalt  }
0x6b: {  	_ =	shalt  }
0x6c: {  	_ =	shalt  }
0x6d: {  	_ =	shalt  }
0x6e: {  	_ =	shalt  }
0x6f: {  	_ =	shalt  }
0x70: {  	_ =	shalt  }
0x71: {  	_ =	shalt  }
0x72: {  	_ =	shalt  }
0x73: {  	_ =	shalt  }
0x74: {  	_ =	shalt  }
0x75: {  	_ =	shalt  }
0x76: {  	_ =	shalt  }
0x77: {  	_ =	shalt  }
0x78: {  	_ =	shalt  }
0x79: {  	_ =	shalt  }
0x7a: {  	_ =	shalt  }
0x7b: {  	_ =	shalt  }
0x7c: {  	_ =	shalt  }
0x7d: {  	_ =	shalt  }
0x7e: {  	_ =	shalt  }
0x7f: {  	_ =	shalt  }
0x80: {  	_ =	shalt  }
0x81: {  	_ =	shalt  }
0x82: {  	_ =	shalt  }
0x83: {  	_ =	shalt  }
0x84: {  	_ =	shalt  }
0x85: {  	_ =	shalt  }
0x86: {  	_ =	shalt  }
0x87: {  	_ =	shalt  }
.Lfunc_end0:
.L_simem_size_0:
called_computation_lowered:
.L_overlay_start_0:
0x88: {  	s2 =	sld [smem:$0x3FD9]  }
0x89: {  	s3 =	sld [smem:$0x3FFE];
	_ =	sdelay $0x1  }
0x8a: {  	s1 =	srdreg.scid  }
0x8b: {  	s0 =	sand.u32 $0x1, s1  }
0x8c: {  	s17 =	sshll.u32 s0, $0xA;
	s2 =	sadd.s32 s3, s2  }
0x8d: {  	s2 =	sadd.s32 s2, s17  }
0x8e: {  	[smem:$0x3FC1] =	sst s2  }
0x8f: {  	_ = 	snop  }
0x90: {  	s2 =	sld [smem:$0x3FC7];
	(tm) =	ssettm $0x1  }
0x91: {  	s18 =	sld [smem:$0x3FFB];
	_ =	sdelay $0x3  }
0x92: {  	_ =	strace s18  }
0x93: {  	s3 =	sld [smem:$0x3FFC];
	_ =	sdelay $0x3  }
0x94: {  	_ =	strace s3  }
0x95: {  	s3 =	sld [smem:$0x3FFD];
	_ =	sdelay $0x3  }
0x96: {  	_ =	strace s3  }
0x97: {  	_ =	strace $0x8FFFFFFF  }
0x98: {  	s19 =	sld [smem:$0x3FDB];
	_ =	sdelay $0x1  }
0x99: {  	s4 =	simm.s32 $_scs_section_size  }
0x9a: {  	s5 =	simm.s32 $_size__tile_overlayer_lowered;
	s6 =	simm.s32 $_tile_overlayer_lowered  }
0x9b: {  	s22 =	simm.s32 $0x1BFF;
	s21 =	sshll.u32 s6, $0x1;
	s3 =	sadd.s32 s4, s19  }
0x9c: {  	s7 =	simm.s32 $0x0;
	s20 =	sshll.u32 s5, $0x1;
	s5 =	sadd.s32 s21, s3  }
0x9d: {  	[timem:s7], [sflag:s22] =	dma.local [hbm:s5], s20  }
0x9e: {  	_ =	swait.ge [sflag:s22], s20  }
0x9f: {  	s4 =	ssub.s32 $0x0, s20;
	[sflag:s22] =	ssyncset.done $0x0  }
0xa0: {  	[sflag:s22] =	ssyncadd.s32 s4;
	_ =	sdelay $0x1  }
0xa1: {  	s23 =	simm.s32 $0x1B8B  }
0xa2: {  	_ =	swait.ge [sflag:s23], $0x1  }
0xa3: {  	[sflag:s23] =	ssyncset.done $0x0  }
0xa4: {  	s25 =	simm.s32 $0x1B8E;
	s24 =	sld [smem:$0x3FFE];
	[sflag:s23] =	ssyncadd.s32 $0xFFFFFFFF  }
0xa5: {  	s26 =	simm.s32 $execute0_lowered;
	[smem:$0x3FD2] =	sst s25  }
0xa6: {  	s5 =	sshll.u32 s26, $0x1;
	_ =	strace $0x80000046;
	[dreg:$0x1] =	wrdreg $0xFFFFFFFF  }
0xa7: {  	s28 =	simm.s32 $_size_execute0_lowered;
	s3 =	sadd.s32 s3, s5;
	[dreg:$0x0] =	wrdreg $0x0  }
0xa8: {  	s5 =	sshll.u32 s28, $0x1;
	[dreg:$0x2] =	wrdreg s3  }
0xa9: {  	[dreg:$0x3] =	wrdreg s5  }
0xaa: {  	[dreg:$0x4] =	wrdreg $0xC0  }
0xab: {  	_ =	task [dreg:s7], $0x5FFFF  }
0xac: {  	[dreg:$0x1] =	wrdreg $0xFFFFFFFF  }
0xad: {  	[dreg:$0x0] =	wrdreg $0x60  }
0xae: {  	[dreg:$0x2] =	wrdreg s24  }
0xaf: {  	[dreg:$0x3] =	wrdreg s2  }
0xb0: {  	[dreg:$0x4] =	wrdreg $0x9  }
0xb1: {  	_ =	task.clear_ibuf [dreg:s7], $0x5FFFF;
	_ =	strace $0x90000046  }
0xb2: {  	s29 =	simm.s32 $0x9;
	_ =	strace $0x80000048  }
0xb3: {  	_ =	swait.ge [sflag:s29], $0x1  }
0xb4: {  	[sflag:s29] =	ssyncadd.s32 $0xFFFFFFFF  }
0xb5: {  	_ =	strace $0x90000048  }
0xb6: {  	_ =	sfence  }
0xb7: {  	s30 =	sld [smem:$0x0];
	_ =	sdelay $0x2  }
0xb8: {  	s31 =	sshll.u32 s1, $0xD;
	s1 =	sshrl.u32 s1, $0x2  }
0xb9: {  	s3 =	sand.u32 $0x4000, s31;
	s1 =	sadd.s32 s1, s30  }
0xba: {  	s0 =	sor.u32 s3, s0;
	s1 =	sshll.u32 s1, $0x11  }
0xbb: {  	s0 =	sor.u32 s1, s0  }
0xbc: {  	s0 =	sadd.s32 $0x8F2B, s0  }
0xbd: {  	[sflag:s0] =	ssyncadd.remote.s32 $0x1  }
0xbe: {  	_ =	sfence.sel $0xFFFF  }
0xbf: {  	[dreg:$0x0] =	wrdreg $0xFFFFFFFF;
	(pc) =	sbr.abs _section_cstart, $3  }
0xc0: {  	[dreg:$0x1] =	wrdreg $0xFFFFFFFF  }
0xc1: {  	_ =	task.clear_ibuf [dreg:s7], $0x2FFFF;
	_ =	strace $0x9FFFFFFF  }
0xc2: {  	(tm) =	ssettm $0x7FFFFFFF  }
0xc3: {  	_ =	shalt  }
tec
execute0_lowered:
.L_overlay_start_1:
0x0: {  	(tag) =	ssettag $0x1  }
0x1: {  	s1 =	srdreg.scid;
	s4 =	rddreg [dreg:$0x0]  }
0x2: {  	s0 =	stileid.u32;
	s6 =	rddreg [dreg:$0x1]  }
0x3: {  	s2 =	simm.s32 $0x0;
	s3 =	sand.u32 $0x1, s1;
	s30 =	sshll.u32 s0, $0x1  }
0x4: {  	s12 =	simm.s32 $0x4E20;
	s13 =	simm.s32 $0x7530;
	s5 =	sor.u32 s3, s30  }
0x5: {  	s14 =	simm.s32 $0xC3C0;
	s15 =	simm.s32 $0x9C40;
	s7 =	smul.u32 $0x4E2, s5  }
0x6: {  	s16 =	simm.s32 $0x0;
	s3 =	ssub.s32 $0x2, s3;
	s8 =	smul.u32 $0x4F0, s5  }
0x7: {  	[smem:$0x7FF] =	sst s2;
	s5 =	smul.u32 $0x4E4, s5;
	s31 =	sshrl.u32 s3, $0x1  }
0x8: {  	s1 =	rddreg [dreg:$0x2];
	_ =	strace $0x80000047;
	s11 =	ssub.s32 s3, s31  }
0x9: {  	s9 =	sadd.s32 s7, s4;
	s8 =	sadd.s32 s8, s4;
	s10 =	sadd.s32 s5, s4  }
0xa: {  	s5 =	sadd.s32 s6, s7;
	s3 =	sadd.s32 $0x15800, s9;
	s4 =	sadd.s32 $0xBA00, s9  }
0xb: {  	s6 =	sadd.s32 $0x1C00, s9;
	s7 =	sadd.s32 $0x29400, s8;
	s8 =	sadd.s32 $0x1F600, s10  }
0xc: {  	v0 =	vimm.f32 $0.0e+00;
	v1 =	vimm.f32 $1.000000000e+00;
	v2 =	vimm.s32 $0x2710;
	s9 =	smax.u32 s11, $0x1;
	s10 =	simm.s32 $0x1;
	s11 =	simm.s32 $0x2710  }
.LBB2_1:
0xd: {  	[tilespmem:s2], [sflag:$0x1] =	stream.linear.gather [hbm4b:s3+s2], $0x2710, $0x38;
	[tilespmem:$0xEAE0] =	vst v63  }
0xe: {  	_ =	swait.ge [sflag:s10], $0x2710  }
0xf: {  	[sflag:s10] =	ssyncset.done $0x0  }
0x10: {  	[sflag:s10] =	ssyncadd.s32 $0xFFFFD8F0  }
0x11: {  	[tilespmem:s11], [sflag:$0x1] =	stream.linear.gather [hbm4b:s4+s2], $0x2710, $0x38;
	[tilespmem:$0xEAE0] =	vst v63  }
0x12: {  	_ =	swait.ge [sflag:s10], $0x2710  }
0x13: {  	[sflag:s10] =	ssyncset.done $0x0  }
0x14: {  	[sflag:s10] =	ssyncadd.s32 $0xFFFFD8F0  }
0x15: {  	[tilespmem:s12], [sflag:$0x1] =	stream.linear.gather [hbm4b:s5+s2], $0x2710, $0x38;
	[tilespmem:$0xEAE0] =	vst v63  }
0x16: {  	_ =	swait.ge [sflag:s10], $0x2710  }
0x17: {  	[sflag:s10] =	ssyncset.done $0x0  }
0x18: {  	[sflag:s10] =	ssyncadd.s32 $0xFFFFD8F0  }
0x19: {  	[tilespmem:s13], [sflag:$0x1] =	stream.linear.gather [hbm4b:s6+s2], $0x2710, $0x38;
	[tilespmem:$0xEAE0] =	vst v63  }
0x1a: {  	_ =	swait.ge [sflag:s10], $0x2710  }
0x1b: {  	[sflag:s10] =	ssyncset.done $0x0  }
0x1c: {  	s17 =	simm.s32 $0x0;
	[sflag:s10] =	ssyncadd.s32 $0xFFFFD8F0  }
.LBB2_2:
0x1d: {  	p0 =	sne.s32 s17, $0x9C40  }
.Ltmp0:
0x1e: {  	_ = 	snop;
	(pc) =	sbr.rel @p0 .LBB2_2-.Ltmp0, $3  }
0x1f: {  	_ =	sdelay $0x1  }
0x20: {  	s18 =	sshra.s32 s17, $0x2  }
0x21: {  	s17 =	sadd.s32 $0x40, s17;
	[tilespmem:s18+$0xC3C0] =	vst v0  }
0x22: {  	s19 =	simm.s32 $0x0  }
0x23: {  	v3 =	vld [tilespmem:s19+$0x4E20]  }
0x24: {  	v4 =	vld [tilespmem:s19+$0x7530];
	_ =	sdelay $0x2  }
0x25: {  	v5 =	vld [tilespmem:s19+$0x0];
	_ =	sdelay $0x1  }
0x26: {  	s17 =	simm.s32 $0x0;
	v3 =	vadd.f32 v4, v3  }
0x27: {  	s18 =	sand.u32 $0xFE00, s17  }
0x28: {  	s20 =	sand.u32 $0x70, s17;
	s18 =	sshrl.u32 s18, $0x2;
	vm0 =	vgt.f32 v3, $0.0e+00  }
0x29: {  	s18 =	sor.u32 s20, s18;
	v3 =	vnsel vm0, $0x2710, v5  }
0x2a: {  	[tilespmem:s18+$0x9C40] =	vst v3  }
0x2b: {  	s18 =	simm.s32 $0x40;
	v3 =	vld [tilespmem:s19+$0x2710]  }
.LBB2_4:
0x2c: {  	_ =	sdelay $0x4  }
0x2d: {  	p0 =	sne.s32 s18, $0x9C00  }
0x2e: {  	s17 =	sadd.s32 $0x10, s17;
	s19 =	smov.u32 s18;
	s18 =	sadd.s32 $0x40, s18  }
0x2f: {  	s20 =	sshra.s32 s19, $0x2;
	[tilespmem:v3+s14+$0x0] =	vst.idx.add.f32.msk vm0, v1  }
0x30: {  	v3 =	vld [tilespmem:s20+$0x4E20]  }
0x31: {  	v4 =	vld [tilespmem:s20+$0x7530];
	_ =	sdelay $0x1  }
0x32: {  	v5 =	vld [tilespmem:s20+$0x0];
	_ =	sdelay $0x2  }
0x33: {  	s19 =	sand.u32 $0xFE00, s19;
	v3 =	vadd.f32 v4, v3  }
.Ltmp1:
0x34: {  	s21 =	sand.u32 $0x70, s17;
	s19 =	sshrl.u32 s19, $0x2;
	(pc) =	sbr.rel @p0 .LBB2_4-.Ltmp1, $4  }
0x35: {  	s19 =	sor.u32 s21, s19;
	vm0 =	vgt.f32 v3, $0.0e+00  }
0x36: {  	v3 =	vnsel vm0, $0x2710, v5  }
0x37: {  	[tilespmem:s19+$0x9C40] =	vst v3  }
0x38: {  	v3 =	vld [tilespmem:s20+$0x2710]  }
0x39: {  	_ =	sdelay $0x7  }
0x3a: {  	[tilespmem:v3+s14+$0x0] =	vst.idx.add.f32.msk vm0, v1  }
0x3b: {  	[tilespmem:$0xC350] =	vst v2  }
0x3c: {  	[tilespmem:$0xC360] =	vst v2  }
0x3d: {  	[tilespmem:$0xC370] =	vst v2  }
0x3e: {  	[tilespmem:$0xC380] =	vst v2  }
0x3f: {  	[tilespmem:$0xC390] =	vst v2  }
0x40: {  	[tilespmem:$0xC3A0] =	vst v2  }
0x41: {  	[tilespmem:$0xC3B0] =	vst v2  }
0x42: {  	[hbm4b:s7+s2] =	stream.linear.scatter [tilespmem:s15], [sflag:$0x1], $0x2780, $0x38;
	[tilespmem:$0xEAE0] =	vst v63  }
0x43: {  	s16 =	sadd.s32 $0x1, s16;
	_ =	swait.ge [sflag:s10], $0x2780  }
0x44: {  	p0 =	sne.s32 s16, s9;
	[sflag:s10] =	ssyncset.done $0x0  }
.Ltmp2:
0x45: {  	[sflag:s10] =	ssyncadd.s32 $0xFFFFD880;
	(pc) =	sbr.rel @p0 .LBB2_1-.Ltmp2, $4  }
0x46: {  	[hbm4b:s8+s2] =	stream.linear.scatter [tilespmem:s14], [sflag:$0x1], $0x2720, $0x38;
	[tilespmem:$0xEAE0] =	vst v63  }
0x47: {  	_ =	swait.ge [sflag:s10], $0x2720  }
0x48: {  	[sflag:s10] =	ssyncset.done $0x0  }
0x49: {  	[sflag:s10] =	ssyncadd.s32 $0xFFFFD8E0  }
0x4a: {  	_ =	sfence.sel $0x180000  }
0x4b: {  	[bflag:$0x0] =	sbarrier.arrive $0xFFFF  }
0x4c: {  	p0 =	sne.s32 s0, $0x0;
	_ =	strace $0x90000047  }
0x4d: {  	s0 =	sadd.s32 @!p0 $0x100000, s1;
	[bflag:$0x2] =	sbarrier.arrive $0xFFFF  }
0x4e: {  	[sflag:s0] =	ssyncadd.tile.s32 @!p0 $0x1;
	_ =	shalt  }
.Lfunc_end2:
_tile_overlayer_lowered:
.L_overlay_start_2:
0x4f: {  	(tag) =	ssettag $0x2  }
0x50: {  	s0 =	rddreg [dreg:$0x0];
	s2 =	stileid.u32  }
0x51: {  	s1 =	rddreg [dreg:$0x1];
	p0 =	sne.s32 s2, $0x0  }
0x52: {  	s3 =	rddreg [dreg:$0x2];
	[bflag:$0x3] =	sbarrier.arrive $0xFFFF;
	s2 =	simm.s32 @!p0 $0x1C01  }
0x53: {  	[timem:s3], [sflag:s2] =	dma.local @!p0 [hbm:s0], s1  }
0x54: {  	s0 =	simm.s32 @!p0 $0x1  }
0x55: {  	_ =	swait.ge @!p0 [sflag:s0], s1  }
0x56: {  	s1 =	ssub.s32 @!p0 $0x0, s1;
	[sflag:s0] =	ssyncset.done @!p0 $0x0  }
0x57: {  	[sflag:s0] =	ssyncadd.s32 @!p0 s1  }
0x58: {  	[bflag:$0x3] =	sbarrier.arrive $0xFFFF  }
0x59: {  	_ =	shalt  }

</sc_bundles>
